<compile_context>
chip_gen: v7x
topology: tpu7x:2x2x1
jax: 0.10.2.dev20260603
libtpu: 0.0.44.dev20260713+nightly
codegen_flags: <defaults>
</compile_context>

<pallas_src>
import dataclasses
import functools
import math

import jax
import jax.numpy as jnp
from jax import lax
from jax.experimental import pallas as pl
from jax.experimental.pallas import tpu as pltpu
from jax.experimental.pallas import tpu_sc as plsc

_TWO_PI = 2.0 * math.pi
_HALF_PI = 0.5 * math.pi
_PI = math.pi

_SC_BLOCK = 2048
_TC_ROWS = 512


def _sc_gather(t, kappa_vec):
    n = t.shape[0]
    mesh = plsc.VectorSubcoreMesh(core_axis_name="c", subcore_axis_name="s")
    sc_params = pltpu.CompilerParams()
    if "needs_layout_passes" in pltpu.CompilerParams.__dataclass_fields__:
        sc_params = dataclasses.replace(sc_params, needs_layout_passes=False)

    @functools.partial(
        pl.kernel,
        mesh=mesh,
        compiler_params=sc_params,
        out_type=jax.ShapeDtypeStruct((1, n), jnp.float32),
        scratch_types=[pltpu.VMEM(kappa_vec.shape, jnp.float32)],
    )
    def gather_kernel(t_hbm, kappa_hbm, a_hbm, kappa_v):
        pltpu.sync_copy(kappa_hbm, kappa_v)

        def body(t_vmem, a_vmem):
            @pl.loop(0, _SC_BLOCK, step=16)
            def _(i):
                idx = t_vmem[0, pl.ds(i, 16)]
                a_vmem[0, pl.ds(i, 16)] = plsc.load_gather(kappa_v, [idx])

        pltpu.emit_pipeline(
            body,
            grid=(n // _SC_BLOCK,),
            in_specs=[pl.BlockSpec((1, _SC_BLOCK), lambda i: (0, i))],
            out_specs=[pl.BlockSpec((1, _SC_BLOCK), lambda i: (0, i))],
            core_axis_name=("c", "s"),
            dimension_semantics=(pltpu.PARALLEL,),
        )(t_hbm, a_hbm)

    return gather_kernel(t.reshape(1, n), kappa_vec)


_SIN_C = (1.0, -1.0 / 6, 1.0 / 120, -1.0 / 5040, 1.0 / 362880, -1.0 / 39916800.0,
          1.0 / 6227020800.0, -1.0 / 1307674368000.0, 1.0 / 355687428096000.0)
_COS_C = (1.0, -0.5, 1.0 / 24, -1.0 / 720, 1.0 / 40320, -1.0 / 3628800.0,
          1.0 / 479001600.0, -1.0 / 87178291200.0, 1.0 / 20922789888000.0)
_ATAN_C = (0.9998660, -0.3302995, 0.1801410, -0.0851330, 0.0208351)


def _poly(z, coeffs):
    p = jnp.float32(coeffs[-1])
    for c in coeffs[-2::-1]:
        p = p * z + jnp.float32(c)
    return p


def _tc_body(x_ref, gc_ref, gs_ref, a_ref, o_ref):
    a = a_ref[...]
    ki = lax.broadcasted_iota(jnp.int32, (128, 384), 0)
    ji = lax.broadcasted_iota(jnp.int32, (128, 384), 1)
    expand = jnp.where((ji >= 3 * ki) & (ji < 3 * ki + 3), 1.0, 0.0)
    arep = jnp.dot(a, expand, preferred_element_type=jnp.float32)

    w = jnp.float32(_TWO_PI) * x_ref[...] - jnp.float32(_PI)
    z = w * w
    sin_w = w * _poly(z, _SIN_C)
    cos_w = _poly(z, _COS_C)
    cos_gt = arep * cos_w + gc_ref[...]
    sin_gt = arep * sin_w + gs_ref[...]

    ax = jnp.abs(cos_gt)
    ay = jnp.abs(sin_gt)
    hi = jnp.maximum(ax, ay)
    lo = jnp.minimum(ax, ay)
    m = lo / jnp.maximum(hi, jnp.float32(1e-37))
    r = m * _poly(m * m, _ATAN_C)
    r = jnp.where(ay > ax, jnp.float32(_HALF_PI) - r, r)
    r = jnp.where(cos_gt < 0, jnp.float32(_PI) - r, r)
    theta = jnp.where(sin_gt < 0, -r, r)

    o_ref[0, :, :] = cos_gt
    o_ref[1, :, :] = sin_gt
    o_ref[2, :, :] = theta * jnp.float32(1.0 / _TWO_PI) + jnp.float32(0.5)


def kernel(xt, G_c_t, G_s_t, t, kappa_t):
    n = xt.shape[0]
    rows = (n * 3) // 384
    a = _sc_gather(t.astype(jnp.int32), kappa_t.reshape(-1))

    x2 = xt.reshape(rows, 384)
    gc2 = G_c_t.reshape(rows, 384)
    gs2 = G_s_t.reshape(rows, 384)
    a2 = a.reshape(rows, 128)

    grid = (rows // _TC_ROWS,)
    out = pl.pallas_call(
        _tc_body,
        grid=grid,
        in_specs=[
            pl.BlockSpec((_TC_ROWS, 384), lambda i: (i, 0)),
            pl.BlockSpec((_TC_ROWS, 384), lambda i: (i, 0)),
            pl.BlockSpec((_TC_ROWS, 384), lambda i: (i, 0)),
            pl.BlockSpec((_TC_ROWS, 128), lambda i: (i, 0)),
        ],
        out_specs=pl.BlockSpec((3, _TC_ROWS, 384), lambda i: (0, i, 0)),
        out_shape=jax.ShapeDtypeStruct((3, rows, 384), jnp.float32),
        compiler_params=pltpu.CompilerParams(
            dimension_semantics=("arbitrary",),
        ),
    )(x2, gc2, gs2, a2)
    return out.reshape(3, n, 3)

# --- scband reference (transcript-rebuilt; emitter-appended) ---
"""Pipeline reference for scband-ssddpm-35416300323525 (READ-ONLY COPY).

The authoritative reference and input builder live on the scoring server;
editing this copy changes nothing except your own understanding.
"""

import jax, jax.numpy as jnp
import numpy as np

NUM_STEPS = 100
N_ATOMS = 2097152


def _nongaussian_scheduler(num_steps):
    # Faithful numpy reimplementation of scipy CubicSpline (not-a-knot) used in nongaussian_scheduler.
    T = 100
    fit_params_y = np.array([3.0, 1.3, 0.6, 0.3, -0.3, -3.0], dtype=np.float64)
    fit_params_x = np.array([0.01, 0.14, 0.35, 0.6, 0.8, 1.0], dtype=np.float64)
    start_kappa_pow = 3.0
    kappa_0, kappa_T = fit_params_y.max(), fit_params_y.min()
    y = (fit_params_y - kappa_T) * ((start_kappa_pow - kappa_T) / (kappa_0 - kappa_T)) + kappa_T
    x = T * fit_params_x
    xq = T * np.arange(num_steps, dtype=np.float64) / num_steps
    n = len(x)
    h = np.diff(x)
    A = np.zeros((n, n), dtype=np.float64)
    rhs = np.zeros(n, dtype=np.float64)
    for i in range(1, n - 1):
        A[i, i - 1] = h[i - 1]
        A[i, i] = 2.0 * (h[i - 1] + h[i])
        A[i, i + 1] = h[i]
        rhs[i] = 3.0 * ((y[i + 1] - y[i]) / h[i] - (y[i] - y[i - 1]) / h[i - 1])
    # not-a-knot boundary conditions (third derivative continuity at x[1] and x[n-2])
    A[0, 0] = h[1]; A[0, 1] = -(h[0] + h[1]); A[0, 2] = h[0]
    A[-1, -3] = h[-1]; A[-1, -2] = -(h[-2] + h[-1]); A[-1, -1] = h[-2]
    c = np.linalg.solve(A, rhs)
    b = (y[1:] - y[:-1]) / h - h * (2.0 * c[:-1] + c[1:]) / 3.0
    d = (c[1:] - c[:-1]) / (3.0 * h)
    idx = np.clip(np.searchsorted(x, xq, side='right') - 1, 0, n - 2)
    dx = xq - x[idx]
    log10_theta = y[idx] + b[idx] * dx + c[idx] * dx ** 2 + d[idx] * dx ** 3
    return np.power(10.0, log10_theta).astype(np.float32)


def setup_inputs(seed: int = 0) -> dict:
    key = jax.random.key(seed)
    k1, k2, k3, k4 = jax.random.split(key, 4)
    xt = jax.random.uniform(k1, (N_ATOMS, 3), dtype=jnp.float32)
    G_c_t = jax.random.normal(k2, (N_ATOMS, 3), dtype=jnp.float32)
    G_s_t = jax.random.normal(k3, (N_ATOMS, 3), dtype=jnp.float32)
    t = jax.random.randint(k4, (N_ATOMS,), 0, NUM_STEPS, dtype=jnp.int64 if jax.config.jax_enable_x64 else jnp.int32)
    kappa_t = jnp.asarray(_nongaussian_scheduler(NUM_STEPS)).reshape(-1, 1)
    return {"xt": xt, "G_c_t": G_c_t, "G_s_t": G_s_t, "t": t, "kappa_t": kappa_t}


def reference(xt, G_c_t, G_s_t, t, kappa_t):
    # SSDDPM.update_Gt: the reverse-sampling statistic update step.
    two_pi = 2.0 * jnp.pi
    x_dom = two_pi * (xt - 0.5)                       # to_domain
    a_t = jnp.take(kappa_t.reshape(-1), t).reshape(-1, 1)  # self.at[t].view(b, 1)
    cosGt = a_t * jnp.cos(x_dom) + G_c_t              # tail_statistic_term + accumulate
    sinGt = a_t * jnp.sin(x_dom) + G_s_t
    theta = jnp.arctan2(sinGt, cosGt)
    x_next = theta / two_pi + 0.5                     # from_domain
    # original returns the tuple (cosGt, sinGt, x_next); stacked here as one array
    return jnp.stack([cosGt, sinGt, x_next], axis=0)

if __name__ == "__main__":
    import jax
    _d = setup_inputs()
    print(jax.jit(kernel)(*tuple(_d.values())))

</pallas_src>

<mosaic_0001>
#map = affine_map<(d0, d1) -> (0, 0)>
#map1 = affine_map<(d0, d1) -> (0)>
module attributes {stable_mosaic.version = 14 : i64} {
  func.func @gather_kernel(%arg0: i32, %arg1: i32, %arg2: memref<1x2097152xi32, #tpu.memory_space<hbm>>, %arg3: memref<100xf32, #tpu.memory_space<hbm>>, %arg4: memref<1x2097152xf32, #tpu.memory_space<hbm>>, %arg5: memref<100xf32, #tpu.memory_space<vmem>>) attributes {dimension_semantics = [#tpu.dimension_semantics<core_parallel>, #tpu.dimension_semantics<subcore_parallel>], iteration_bounds = array<i64: 2, 16>, scalar_prefetch = 0 : i64, scratch_operands = 1 : i64, tpu.core_type = #tpu.core_type<sc_vector_subcore>, window_params = [{transform_indices = #map}, {transform_indices = #map1}, {transform_indices = #map}]} {
    "tpu.region"() ({
      %run_scoped3A = tpu.sem_alloc : memref<!tpu.dma_semaphore, #tpu.memory_space<semaphore_mem>>
      tpu.enqueue_dma source(%arg3 : memref<100xf32, #tpu.memory_space<hbm>>) target(%arg5 : memref<100xf32, #tpu.memory_space<vmem>>) target_semaphore(%run_scoped3A : memref<!tpu.dma_semaphore, #tpu.memory_space<semaphore_mem>>)
      tpu.wait_dma2 semaphore(%run_scoped3A : memref<!tpu.dma_semaphore, #tpu.memory_space<semaphore_mem>>) src(%arg3 : memref<100xf32, #tpu.memory_space<hbm>>) dst(%arg5 : memref<100xf32, #tpu.memory_space<vmem>>)
      tpu.yield
    }) : () -> ()
    %mul3A = arith.constant 1 : i32
    %mul3A_0 = arith.muli %arg1, %mul3A : i32
    %add3A = arith.constant 0 : i32
    %add3A_1 = arith.addi %add3A, %mul3A_0 : i32
    %mul3A_2 = arith.constant 16 : i32
    %mul3A_3 = arith.muli %arg0, %mul3A_2 : i32
    %add3A_4 = arith.addi %add3A_1, %mul3A_3 : i32
    %mul3A_5 = arith.constant 32 : i32
    %mul3A_6 = arith.muli %add3A_4, %mul3A_5 : i32
    "tpu.region"() ({
      %run_scoped3A = memref.alloca() : memref<2x1x2048xi32, #tpu.memory_space<vmem>>
      %run_scoped3A_7 = tpu.sem_alloc : memref<2x!tpu.dma_semaphore, #tpu.memory_space<semaphore_mem>>
      %run_scoped3A_8 = memref.alloca() : memref<2x1x2048xf32, #tpu.memory_space<vmem>>
      %run_scoped3A_9 = tpu.sem_alloc : memref<2x!tpu.dma_semaphore, #tpu.memory_space<semaphore_mem>>
      %add3A_10 = arith.constant 0 : i32
      %add3A_11 = arith.addi %add3A_10, %mul3A_6 : i32
      %select_n3A = arith.constant true
      %select_n3A_12 = arith.constant 0 : i32
      %select_n3A_13 = arith.constant -1 : i32
      %select_n3A_14 = arith.select %select_n3A, %select_n3A_13, %select_n3A_12 : i32
      %eq3A = arith.constant -1 : i32
      %eq3A_15 = arith.cmpi eq, %select_n3A_14, %eq3A : i32
      %select_n3A_16 = arith.constant 31 : i32
      %select_n3A_17 = arith.select %eq3A_15, %select_n3A_16, %select_n3A_14 : i32
      %add3A_18 = arith.addi %select_n3A_17, %mul3A_6 : i32
      %select_n3A_19 = arith.constant true
      %select_n3A_20 = arith.constant 0 : i32
      %select_n3A_21 = arith.constant 1 : i32
      %select_n3A_22 = arith.select %select_n3A_19, %select_n3A_21, %select_n3A_20 : i32
      %eq3A_23 = arith.constant 32 : i32
      %eq3A_24 = arith.cmpi eq, %select_n3A_22, %eq3A_23 : i32
      %select_n3A_25 = arith.constant 0 : i32
      %select_n3A_26 = arith.select %eq3A_24, %select_n3A_25, %select_n3A_22 : i32
      %add3A_27 = arith.addi %select_n3A_26, %mul3A_6 : i32
      %add3A_28 = arith.constant 1 : i32
      %add3A_29 = arith.addi %select_n3A_26, %add3A_28 : i32
      %select_n3A_30 = arith.constant true
      %select_n3A_31 = arith.select %select_n3A_30, %add3A_29, %select_n3A_26 : i32
      %eq3A_32 = arith.constant 32 : i32
      %eq3A_33 = arith.cmpi eq, %select_n3A_31, %eq3A_32 : i32
      %select_n3A_34 = arith.constant 0 : i32
      %select_n3A_35 = arith.select %eq3A_33, %select_n3A_34, %select_n3A_31 : i32
      %add3A_36 = arith.addi %select_n3A_35, %mul3A_6 : i32
      "tpu.trace_start"() <{level = 10 : i32, message = "ep_initialize_0"}> : () -> ()
      %rem3A = arith.constant 0 : i32
      %rem3A_37 = arith.constant 2 : i32
      %rem3A_38 = arith.remui %rem3A, %rem3A_37 : i32
      %mul3A_39 = arith.constant 2048 : i32
      %mul3A_40 = arith.muli %mul3A_39, %add3A_11 : i32
      %dma_start3A = arith.constant 0 : i32
      %dma_start3A_41 = arith.constant 0 : i32
      %dma_start3A_42 = tpu.memref_slice %run_scoped3A[%rem3A_38, %dma_start3A, %dma_start3A_41] : memref<2x1x2048xi32, #tpu.memory_space<vmem>> -> memref<1x1x2048xi32, #tpu.memory_space<vmem>>
      %dma_start3A_43 = tpu.memref_squeeze %dma_start3A_42 : memref<1x1x2048xi32, #tpu.memory_space<vmem>> -> memref<1x2048xi32, #tpu.memory_space<vmem>>
      %dma_start3A_44 = arith.constant 0 : i32
      %dma_start3A_45 = tpu.memref_slice %arg2[%dma_start3A_44, %mul3A_40] : memref<1x2097152xi32, #tpu.memory_space<hbm>> -> memref<1x2048xi32, #tpu.memory_space<hbm>>
      %dma_start3A_46 = tpu.memref_slice %run_scoped3A_7[%rem3A_38] : memref<2x!tpu.dma_semaphore, #tpu.memory_space<semaphore_mem>> -> memref<1x!tpu.dma_semaphore, #tpu.memory_space<semaphore_mem>>
      %dma_start3A_47 = tpu.memref_squeeze %dma_start3A_46 : memref<1x!tpu.dma_semaphore, #tpu.memory_space<semaphore_mem>> -> memref<!tpu.dma_semaphore, #tpu.memory_space<semaphore_mem>>
      %dma_start3A_48 = arith.constant 0 : i32
      %dma_start3A_49 = arith.constant 0 : i32
      %dma_start3A_50 = tpu.memref_slice %run_scoped3A[%rem3A_38, %dma_start3A_48, %dma_start3A_49] : memref<2x1x2048xi32, #tpu.memory_space<vmem>> -> memref<1x1x2048xi32, #tpu.memory_space<vmem>>
      %dma_start3A_51 = tpu.memref_squeeze %dma_start3A_50 : memref<1x1x2048xi32, #tpu.memory_space<vmem>> -> memref<1x2048xi32, #tpu.memory_space<vmem>>
      %dma_start3A_52 = arith.constant 0 : i32
      %dma_start3A_53 = tpu.memref_slice %arg2[%dma_start3A_52, %mul3A_40] : memref<1x2097152xi32, #tpu.memory_space<hbm>> -> memref<1x2048xi32, #tpu.memory_space<hbm>>
      tpu.enqueue_dma source(%dma_start3A_53 : memref<1x2048xi32, #tpu.memory_space<hbm>>) target(%dma_start3A_51 : memref<1x2048xi32, #tpu.memory_space<vmem>>) target_semaphore(%dma_start3A_47 : memref<!tpu.dma_semaphore, #tpu.memory_space<semaphore_mem>>)
      %add3A_54 = arith.constant 0 : i32
      %add3A_55 = arith.constant 1 : i32
      %add3A_56 = arith.addi %add3A_54, %add3A_55 : i32
      %select_n3A_57 = arith.constant true
      %select_n3A_58 = arith.constant 0 : i32
      %select_n3A_59 = arith.select %select_n3A_57, %add3A_56, %select_n3A_58 : i32
      "tpu.trace_stop"() : () -> ()
      %scan3A = arith.constant 0 : i32
      %scan3A_60 = arith.constant 0 : i32
      %scan3A_61 = arith.constant 0 : i32
      %scan3A_62 = arith.constant 0 : i32
      %scan3A_63 = arith.constant 0 : i32
      %scan3A_64 = arith.constant 32 : i32
      %scan3A_65 = arith.addi %scan3A_63, %scan3A_64 : i32
      %scan3A_66 = arith.constant 1 : i32
      %scan3A_67:5 = scf.for %scan3A_121 = %scan3A_63 to %scan3A_65 step %scan3A_66 iter_args(%scan3A_122 = %select_n3A_59, %scan3A_123 = %scan3A, %scan3A_124 = %scan3A_60, %scan3A_125 = %scan3A_61, %scan3A_126 = %scan3A_62) -> (i32, i32, i32, i32, i32)  : i32 {
        %eq3A_127 = arith.constant 0 : i32
        %eq3A_128 = arith.cmpi eq, %scan3A_121, %eq3A_127 : i32
        %eq3A_129 = arith.constant 31 : i32
        %eq3A_130 = arith.cmpi eq, %scan3A_121, %eq3A_129 : i32
        %add3A_131 = arith.addi %scan3A_126, %mul3A_6 : i32
        %sub3A_132 = arith.constant 1 : i32
        %sub3A_133 = arith.subi %scan3A_126, %sub3A_132 : i32
        %select_n3A_134 = arith.constant true
        %select_n3A_135 = arith.select %select_n3A_134, %sub3A_133, %scan3A_126 : i32
        %eq3A_136 = arith.constant -1 : i32
        %eq3A_137 = arith.cmpi eq, %select_n3A_135, %eq3A_136 : i32
        %select_n3A_138 = arith.constant 31 : i32
        %select_n3A_139 = arith.select %eq3A_137, %select_n3A_138, %select_n3A_135 : i32
        %add3A_140 = arith.addi %select_n3A_139, %mul3A_6 : i32
        %add3A_141 = arith.constant 1 : i32
        %add3A_142 = arith.addi %scan3A_126, %add3A_141 : i32
        %select_n3A_143 = arith.constant true
        %select_n3A_144 = arith.select %select_n3A_143, %add3A_142, %scan3A_126 : i32
        %eq3A_145 = arith.constant 32 : i32
        %eq3A_146 = arith.cmpi eq, %select_n3A_144, %eq3A_145 : i32
        %select_n3A_147 = arith.constant 0 : i32
        %select_n3A_148 = arith.select %eq3A_146, %select_n3A_147, %select_n3A_144 : i32
        %add3A_149 = arith.addi %select_n3A_148, %mul3A_6 : i32
        %add3A_150 = arith.constant 1 : i32
        %add3A_151 = arith.addi %select_n3A_148, %add3A_150 : i32
        %select_n3A_152 = arith.constant true
        %select_n3A_153 = arith.select %select_n3A_152, %add3A_151, %select_n3A_148 : i32
        %eq3A_154 = arith.constant 32 : i32
        %eq3A_155 = arith.cmpi eq, %select_n3A_153, %eq3A_154 : i32
        %select_n3A_156 = arith.constant 0 : i32
        %select_n3A_157 = arith.select %eq3A_155, %select_n3A_156, %select_n3A_153 : i32
        %add3A_158 = arith.addi %select_n3A_157, %mul3A_6 : i32
        %ne3A = arith.cmpi ne, %add3A_131, %add3A_149 : i32
        %or3A = arith.constant false
        %or3A_159 = arith.ori %or3A, %ne3A : i1
        %ge3A = arith.constant 31 : i32
        %ge3A_160 = arith.cmpi sge, %scan3A_121, %ge3A : i32
        %not3A = arith.constant true
        %not3A_161 = arith.xori %ge3A_160, %not3A : i1
        %and3A = arith.andi %or3A_159, %not3A_161 : i1
        %convert_element_type3A = arith.extui %and3A : i1 to i32
        %cond3A = arith.constant 0 : i32
        %cond3A_162 = arith.cmpi ne, %convert_element_type3A, %cond3A : i32
        scf.if %cond3A_162 {
          "tpu.trace_start"() <{level = 10 : i32, message = "ep_copy_in"}> : () -> ()
          %rem3A_260 = arith.constant 2 : i32
          %rem3A_261 = arith.remui %scan3A_122, %rem3A_260 : i32
          %mul3A_262 = arith.constant 2048 : i32
          %mul3A_263 = arith.muli %mul3A_262, %add3A_149 : i32
          %dma_start3A_264 = arith.constant 0 : i32
          %dma_start3A_265 = arith.constant 0 : i32
          %dma_start3A_266 = tpu.memref_slice %run_scoped3A[%rem3A_261, %dma_start3A_264, %dma_start3A_265] : memref<2x1x2048xi32, #tpu.memory_space<vmem>> -> memref<1x1x2048xi32, #tpu.memory_space<vmem>>
          %dma_start3A_267 = tpu.memref_squeeze %dma_start3A_266 : memref<1x1x2048xi32, #tpu.memory_space<vmem>> -> memref<1x2048xi32, #tpu.memory_space<vmem>>
          %dma_start3A_268 = arith.constant 0 : i32
          %dma_start3A_269 = tpu.memref_slice %arg2[%dma_start3A_268, %mul3A_263] : memref<1x2097152xi32, #tpu.memory_space<hbm>> -> memref<1x2048xi32, #tpu.memory_space<hbm>>
          %dma_start3A_270 = tpu.memref_slice %run_scoped3A_7[%rem3A_261] : memref<2x!tpu.dma_semaphore, #tpu.memory_space<semaphore_mem>> -> memref<1x!tpu.dma_semaphore, #tpu.memory_space<semaphore_mem>>
          %dma_start3A_271 = tpu.memref_squeeze %dma_start3A_270 : memref<1x!tpu.dma_semaphore, #tpu.memory_space<semaphore_mem>> -> memref<!tpu.dma_semaphore, #tpu.memory_space<semaphore_mem>>
          %dma_start3A_272 = arith.constant 0 : i32
          %dma_start3A_273 = arith.constant 0 : i32
          %dma_start3A_274 = tpu.memref_slice %run_scoped3A[%rem3A_261, %dma_start3A_272, %dma_start3A_273] : memref<2x1x2048xi32, #tpu.memory_space<vmem>> -> memref<1x1x2048xi32, #tpu.memory_space<vmem>>
          %dma_start3A_275 = tpu.memref_squeeze %dma_start3A_274 : memref<1x1x2048xi32, #tpu.memory_space<vmem>> -> memref<1x2048xi32, #tpu.memory_space<vmem>>
          %dma_start3A_276 = arith.constant 0 : i32
          %dma_start3A_277 = tpu.memref_slice %arg2[%dma_start3A_276, %mul3A_263] : memref<1x2097152xi32, #tpu.memory_space<hbm>> -> memref<1x2048xi32, #tpu.memory_space<hbm>>
          tpu.enqueue_dma source(%dma_start3A_277 : memref<1x2048xi32, #tpu.memory_space<hbm>>) target(%dma_start3A_275 : memref<1x2048xi32, #tpu.memory_space<vmem>>) target_semaphore(%dma_start3A_271 : memref<!tpu.dma_semaphore, #tpu.memory_space<semaphore_mem>>)
          "tpu.trace_stop"() : () -> ()
        } else {
        }
        %and3A_163 = arith.constant true
        %and3A_164 = arith.andi %and3A, %and3A_163 : i1
        %add3A_165 = arith.constant 1 : i32
        %add3A_166 = arith.addi %scan3A_122, %add3A_165 : i32
        %select_n3A_167 = arith.select %and3A_164, %add3A_166, %scan3A_122 : i32
        %ne3A_168 = arith.cmpi ne, %add3A_131, %add3A_149 : i32
        %or3A_169 = arith.constant false
        %or3A_170 = arith.ori %or3A_169, %ne3A_168 : i1
        %ge3A_171 = arith.constant 31 : i32
        %ge3A_172 = arith.cmpi sge, %scan3A_121, %ge3A_171 : i32
        %not3A_173 = arith.constant true
        %not3A_174 = arith.xori %ge3A_172, %not3A_173 : i1
        %and3A_175 = arith.andi %or3A_170, %not3A_174 : i1
        %ne3A_176 = arith.cmpi ne, %add3A_131, %add3A_140 : i32
        %or3A_177 = arith.constant false
        %or3A_178 = arith.ori %or3A_177, %ne3A_176 : i1
        %or3A_179 = arith.ori %or3A_178, %eq3A_128 : i1
        %convert_element_type3A_180 = arith.extui %or3A_179 : i1 to i32
        %cond3A_181 = arith.constant 0 : i32
        %cond3A_182 = arith.cmpi ne, %convert_element_type3A_180, %cond3A_181 : i32
        scf.if %cond3A_182 {
          "tpu.trace_start"() <{level = 10 : i32, message = "ep_wait_in"}> : () -> ()
          %mul3A_260 = arith.constant 2048 : i32
          %mul3A_261 = arith.muli %mul3A_260, %add3A_131 : i32
          %rem3A_262 = arith.constant 2 : i32
          %rem3A_263 = arith.remui %scan3A_123, %rem3A_262 : i32
          %dma_wait3A_264 = arith.constant 0 : i32
          %dma_wait3A_265 = arith.constant 0 : i32
          %dma_wait3A_266 = tpu.memref_slice %run_scoped3A[%rem3A_263, %dma_wait3A_264, %dma_wait3A_265] : memref<2x1x2048xi32, #tpu.memory_space<vmem>> -> memref<1x1x2048xi32, #tpu.memory_space<vmem>>
          %dma_wait3A_267 = tpu.memref_squeeze %dma_wait3A_266 : memref<1x1x2048xi32, #tpu.memory_space<vmem>> -> memref<1x2048xi32, #tpu.memory_space<vmem>>
          %dma_wait3A_268 = arith.constant 0 : i32
          %dma_wait3A_269 = tpu.memref_slice %arg2[%dma_wait3A_268, %mul3A_261] : memref<1x2097152xi32, #tpu.memory_space<hbm>> -> memref<1x2048xi32, #tpu.memory_space<hbm>>
          %dma_wait3A_270 = tpu.memref_slice %run_scoped3A_7[%rem3A_263] : memref<2x!tpu.dma_semaphore, #tpu.memory_space<semaphore_mem>> -> memref<1x!tpu.dma_semaphore, #tpu.memory_space<semaphore_mem>>
          %dma_wait3A_271 = tpu.memref_squeeze %dma_wait3A_270 : memref<1x!tpu.dma_semaphore, #tpu.memory_space<semaphore_mem>> -> memref<!tpu.dma_semaphore, #tpu.memory_space<semaphore_mem>>
          %dma_wait3A_272 = arith.constant 0 : i32
          %dma_wait3A_273 = arith.constant 0 : i32
          %dma_wait3A_274 = tpu.memref_slice %run_scoped3A[%rem3A_263, %dma_wait3A_272, %dma_wait3A_273] : memref<2x1x2048xi32, #tpu.memory_space<vmem>> -> memref<1x1x2048xi32, #tpu.memory_space<vmem>>
          %dma_wait3A_275 = tpu.memref_squeeze %dma_wait3A_274 : memref<1x1x2048xi32, #tpu.memory_space<vmem>> -> memref<1x2048xi32, #tpu.memory_space<vmem>>
          %dma_wait3A_276 = arith.constant 0 : i32
          %dma_wait3A_277 = tpu.memref_slice %arg2[%dma_wait3A_276, %mul3A_261] : memref<1x2097152xi32, #tpu.memory_space<hbm>> -> memref<1x2048xi32, #tpu.memory_space<hbm>>
          tpu.wait_dma2 semaphore(%dma_wait3A_271 : memref<!tpu.dma_semaphore, #tpu.memory_space<semaphore_mem>>) src(%dma_wait3A_277 : memref<1x2048xi32, #tpu.memory_space<hbm>>) dst(%dma_wait3A_275 : memref<1x2048xi32, #tpu.memory_space<vmem>>)
          "tpu.trace_stop"() : () -> ()
        } else {
        }
        %ne3A_183 = arith.cmpi ne, %add3A_131, %add3A_140 : i32
        %or3A_184 = arith.constant false
        %or3A_185 = arith.ori %or3A_184, %ne3A_183 : i1
        %or3A_186 = arith.ori %or3A_185, %eq3A_128 : i1
        %convert_element_type3A_187 = arith.extui %or3A_186 : i1 to i32
        %cond3A_188 = arith.constant 0 : i32
        %cond3A_189 = arith.cmpi ne, %convert_element_type3A_187, %cond3A_188 : i32
        scf.if %cond3A_189 {
        } else {
        }
        %rem3A_190 = arith.constant 2 : i32
        %rem3A_191 = arith.remui %scan3A_123, %rem3A_190 : i32
        %rem3A_192 = arith.constant 2 : i32
        %rem3A_193 = arith.remui %scan3A_124, %rem3A_192 : i32
        "tpu.trace_start"() <{level = 10 : i32, message = "ep_run_kernel"}> : () -> ()
        %scan3A_194 = arith.constant 0 : i32
        %scan3A_195 = arith.constant 128 : i32
        %scan3A_196 = arith.addi %scan3A_194, %scan3A_195 : i32
        %scan3A_197 = arith.constant 1 : i32
        scf.for %scan3A_260 = %scan3A_194 to %scan3A_196 step %scan3A_197  : i32 {
          %mul3A_261 = arith.constant 16 : i32
          %mul3A_262 = arith.muli %scan3A_260, %mul3A_261 : i32
          %add3A_263 = arith.constant 0 : i32
          %add3A_264 = arith.addi %add3A_263, %mul3A_262 : i32
          %get3A = arith.constant 0 : i32
          %get3A_265 = arith.constant 0 : i32
          %get3A_266 = arith.constant 0 : i32
          %get3A_267 = tpu.memref_slice %run_scoped3A[%rem3A_191, %get3A_265, %get3A_266] : memref<2x1x2048xi32, #tpu.memory_space<vmem>> -> memref<1x1x2048xi32, #tpu.memory_space<vmem>>
          %get3A_268 = tpu.memref_squeeze %get3A_267 : memref<1x1x2048xi32, #tpu.memory_space<vmem>> -> memref<1x2048xi32, #tpu.memory_space<vmem>>
          %get3A_269 = arith.index_cast %get3A : i32 to index
          %get3A_270 = arith.index_cast %add3A_264 : i32 to index
          %get3A_271 = tpu.vector_load %get3A_268[%get3A_269, %get3A_270] {strides = array<i32>} : memref<1x2048xi32, #tpu.memory_space<vmem>>, vector<16xi32>,
          %gather3A = tpu.vector_load_idx %arg5[%get3A_271] : memref<100xf32, #tpu.memory_space<vmem>>[vector<16xi32>], vector<16xf32>,
          %swap3A = arith.constant 0 : i32
          %swap3A_272 = arith.constant 0 : i32
          %swap3A_273 = arith.constant 0 : i32
          %swap3A_274 = tpu.memref_slice %run_scoped3A_8[%rem3A_193, %swap3A_272, %swap3A_273] : memref<2x1x2048xf32, #tpu.memory_space<vmem>> -> memref<1x1x2048xf32, #tpu.memory_space<vmem>>
          %swap3A_275 = tpu.memref_squeeze %swap3A_274 : memref<1x1x2048xf32, #tpu.memory_space<vmem>> -> memref<1x2048xf32, #tpu.memory_space<vmem>>
          %swap3A_276 = arith.index_cast %swap3A : i32 to index
          %swap3A_277 = arith.index_cast %add3A_264 : i32 to index
          %swap3A_278 = tpu.vector_load %swap3A_275[%swap3A_276, %swap3A_277] {strides = array<i32>} : memref<1x2048xf32, #tpu.memory_space<vmem>>, vector<16xf32>,
          tpu.vector_store %swap3A_275[%swap3A_276, %swap3A_277], %gather3A {strides = array<i32>} : memref<1x2048xf32, #tpu.memory_space<vmem>>, vector<16xf32>,
        }
        %scan3A_198 = arith.constant 128 : i32
        "tpu.trace_stop"() : () -> ()
        %ne3A_199 = arith.cmpi ne, %add3A_131, %add3A_149 : i32
        %or3A_200 = arith.constant false
        %or3A_201 = arith.ori %or3A_200, %ne3A_199 : i1
        %or3A_202 = arith.ori %or3A_201, %eq3A_130 : i1
        %convert_element_type3A_203 = arith.extui %or3A_202 : i1 to i32
        %cond3A_204 = arith.constant 0 : i32
        %cond3A_205 = arith.cmpi ne, %convert_element_type3A_203, %cond3A_204 : i32
        scf.if %cond3A_205 {
        } else {
        }
        %and3A_206 = arith.constant false
        %and3A_207 = arith.andi %or3A_202, %and3A_206 : i1
        %ne3A_208 = arith.cmpi ne, %add3A_131, %add3A_149 : i32
        %or3A_209 = arith.constant false
        %or3A_210 = arith.ori %or3A_209, %ne3A_208 : i1
        %or3A_211 = arith.ori %or3A_210, %eq3A_130 : i1
        %convert_element_type3A_212 = arith.extui %or3A_211 : i1 to i32
        %cond3A_213 = arith.constant 0 : i32
        %cond3A_214 = arith.cmpi ne, %convert_element_type3A_212, %cond3A_213 : i32
        scf.if %cond3A_214 {
          "tpu.trace_start"() <{level = 10 : i32, message = "ep_copy_out"}> : () -> ()
          %rem3A_260 = arith.constant 2 : i32
          %rem3A_261 = arith.remui %scan3A_124, %rem3A_260 : i32
          %mul3A_262 = arith.constant 2048 : i32
          %mul3A_263 = arith.muli %mul3A_262, %add3A_131 : i32
          %dma_start3A_264 = arith.constant 0 : i32
          %dma_start3A_265 = arith.constant 0 : i32
          %dma_start3A_266 = tpu.memref_slice %run_scoped3A_8[%rem3A_261, %dma_start3A_264, %dma_start3A_265] : memref<2x1x2048xf32, #tpu.memory_space<vmem>> -> memref<1x1x2048xf32, #tpu.memory_space<vmem>>
          %dma_start3A_267 = tpu.memref_squeeze %dma_start3A_266 : memref<1x1x2048xf32, #tpu.memory_space<vmem>> -> memref<1x2048xf32, #tpu.memory_space<vmem>>
          %dma_start3A_268 = arith.constant 0 : i32
          %dma_start3A_269 = tpu.memref_slice %arg4[%dma_start3A_268, %mul3A_263] : memref<1x2097152xf32, #tpu.memory_space<hbm>> -> memref<1x2048xf32, #tpu.memory_space<hbm>>
          %dma_start3A_270 = tpu.memref_slice %run_scoped3A_9[%rem3A_261] : memref<2x!tpu.dma_semaphore, #tpu.memory_space<semaphore_mem>> -> memref<1x!tpu.dma_semaphore, #tpu.memory_space<semaphore_mem>>
          %dma_start3A_271 = tpu.memref_squeeze %dma_start3A_270 : memref<1x!tpu.dma_semaphore, #tpu.memory_space<semaphore_mem>> -> memref<!tpu.dma_semaphore, #tpu.memory_space<semaphore_mem>>
          %dma_start3A_272 = arith.constant 0 : i32
          %dma_start3A_273 = tpu.memref_slice %arg4[%dma_start3A_272, %mul3A_263] : memref<1x2097152xf32, #tpu.memory_space<hbm>> -> memref<1x2048xf32, #tpu.memory_space<hbm>>
          %dma_start3A_274 = arith.constant 0 : i32
          %dma_start3A_275 = arith.constant 0 : i32
          %dma_start3A_276 = tpu.memref_slice %run_scoped3A_8[%rem3A_261, %dma_start3A_274, %dma_start3A_275] : memref<2x1x2048xf32, #tpu.memory_space<vmem>> -> memref<1x1x2048xf32, #tpu.memory_space<vmem>>
          %dma_start3A_277 = tpu.memref_squeeze %dma_start3A_276 : memref<1x1x2048xf32, #tpu.memory_space<vmem>> -> memref<1x2048xf32, #tpu.memory_space<vmem>>
          tpu.enqueue_dma source(%dma_start3A_277 : memref<1x2048xf32, #tpu.memory_space<vmem>>) target(%dma_start3A_273 : memref<1x2048xf32, #tpu.memory_space<hbm>>) target_semaphore(%dma_start3A_271 : memref<!tpu.dma_semaphore, #tpu.memory_space<semaphore_mem>>)
          "tpu.trace_stop"() : () -> ()
        } else {
        }
        %and3A_215 = arith.constant true
        %and3A_216 = arith.andi %or3A_211, %and3A_215 : i1
        %add3A_217 = arith.constant 1 : i32
        %add3A_218 = arith.addi %scan3A_124, %add3A_217 : i32
        %select_n3A_219 = arith.select %and3A_216, %add3A_218, %scan3A_124 : i32
        %ne3A_220 = arith.cmpi ne, %add3A_131, %add3A_140 : i32
        %or3A_221 = arith.constant false
        %or3A_222 = arith.ori %or3A_221, %ne3A_220 : i1
        %not3A_223 = arith.constant true
        %not3A_224 = arith.xori %eq3A_128, %not3A_223 : i1
        %and3A_225 = arith.andi %or3A_222, %not3A_224 : i1
        %convert_element_type3A_226 = arith.extui %and3A_225 : i1 to i32
        %cond3A_227 = arith.constant 0 : i32
        %cond3A_228 = arith.cmpi ne, %convert_element_type3A_226, %cond3A_227 : i32
        scf.if %cond3A_228 {
        } else {
        }
        %and3A_229 = arith.constant false
        %and3A_230 = arith.andi %and3A_225, %and3A_229 : i1
        %ne3A_231 = arith.cmpi ne, %add3A_131, %add3A_140 : i32
        %or3A_232 = arith.constant false
        %or3A_233 = arith.ori %or3A_232, %ne3A_231 : i1
        %not3A_234 = arith.constant true
        %not3A_235 = arith.xori %eq3A_128, %not3A_234 : i1
        %and3A_236 = arith.andi %or3A_233, %not3A_235 : i1
        %convert_element_type3A_237 = arith.extui %and3A_236 : i1 to i32
        %cond3A_238 = arith.constant 0 : i32
        %cond3A_239 = arith.cmpi ne, %convert_element_type3A_237, %cond3A_238 : i32
        scf.if %cond3A_239 {
          "tpu.trace_start"() <{level = 10 : i32, message = "ep_wait_out"}> : () -> ()
          %rem3A_260 = arith.constant 2 : i32
          %rem3A_261 = arith.remui %scan3A_125, %rem3A_260 : i32
          %mul3A_262 = arith.constant 2048 : i32
          %mul3A_263 = arith.muli %mul3A_262, %add3A_140 : i32
          %dma_wait3A_264 = arith.constant 0 : i32
          %dma_wait3A_265 = arith.constant 0 : i32
          %dma_wait3A_266 = tpu.memref_slice %run_scoped3A_8[%rem3A_261, %dma_wait3A_264, %dma_wait3A_265] : memref<2x1x2048xf32, #tpu.memory_space<vmem>> -> memref<1x1x2048xf32, #tpu.memory_space<vmem>>
          %dma_wait3A_267 = tpu.memref_squeeze %dma_wait3A_266 : memref<1x1x2048xf32, #tpu.memory_space<vmem>> -> memref<1x2048xf32, #tpu.memory_space<vmem>>
          %dma_wait3A_268 = arith.constant 0 : i32
          %dma_wait3A_269 = tpu.memref_slice %arg4[%dma_wait3A_268, %mul3A_263] : memref<1x2097152xf32, #tpu.memory_space<hbm>> -> memref<1x2048xf32, #tpu.memory_space<hbm>>
          %dma_wait3A_270 = tpu.memref_slice %run_scoped3A_9[%rem3A_261] : memref<2x!tpu.dma_semaphore, #tpu.memory_space<semaphore_mem>> -> memref<1x!tpu.dma_semaphore, #tpu.memory_space<semaphore_mem>>
          %dma_wait3A_271 = tpu.memref_squeeze %dma_wait3A_270 : memref<1x!tpu.dma_semaphore, #tpu.memory_space<semaphore_mem>> -> memref<!tpu.dma_semaphore, #tpu.memory_space<semaphore_mem>>
          %dma_wait3A_272 = arith.constant 0 : i32
          %dma_wait3A_273 = tpu.memref_slice %arg4[%dma_wait3A_272, %mul3A_263] : memref<1x2097152xf32, #tpu.memory_space<hbm>> -> memref<1x2048xf32, #tpu.memory_space<hbm>>
          %dma_wait3A_274 = arith.constant 0 : i32
          %dma_wait3A_275 = arith.constant 0 : i32
          %dma_wait3A_276 = tpu.memref_slice %run_scoped3A_8[%rem3A_261, %dma_wait3A_274, %dma_wait3A_275] : memref<2x1x2048xf32, #tpu.memory_space<vmem>> -> memref<1x1x2048xf32, #tpu.memory_space<vmem>>
          %dma_wait3A_277 = tpu.memref_squeeze %dma_wait3A_276 : memref<1x1x2048xf32, #tpu.memory_space<vmem>> -> memref<1x2048xf32, #tpu.memory_space<vmem>>
          tpu.wait_dma2 semaphore(%dma_wait3A_271 : memref<!tpu.dma_semaphore, #tpu.memory_space<semaphore_mem>>) src(%dma_wait3A_277 : memref<1x2048xf32, #tpu.memory_space<vmem>>) dst(%dma_wait3A_273 : memref<1x2048xf32, #tpu.memory_space<hbm>>)
          "tpu.trace_stop"() : () -> ()
        } else {
        }
        %and3A_240 = arith.constant true
        %and3A_241 = arith.andi %and3A_236, %and3A_240 : i1
        %add3A_242 = arith.constant 1 : i32
        %add3A_243 = arith.addi %scan3A_125, %add3A_242 : i32
        %select_n3A_244 = arith.select %and3A_241, %add3A_243, %scan3A_125 : i32
        %ne3A_245 = arith.cmpi ne, %add3A_131, %add3A_149 : i32
        %or3A_246 = arith.constant false
        %or3A_247 = arith.ori %or3A_246, %ne3A_245 : i1
        %or3A_248 = arith.ori %or3A_247, %eq3A_130 : i1
        %add3A_249 = arith.constant 1 : i32
        %add3A_250 = arith.addi %scan3A_123, %add3A_249 : i32
        %select_n3A_251 = arith.select %or3A_248, %add3A_250, %scan3A_123 : i32
        %add3A_252 = arith.constant 1 : i32
        %add3A_253 = arith.addi %scan3A_126, %add3A_252 : i32
        %select_n3A_254 = arith.constant true
        %select_n3A_255 = arith.select %select_n3A_254, %add3A_253, %scan3A_126 : i32
        %eq3A_256 = arith.constant 32 : i32
        %eq3A_257 = arith.cmpi eq, %select_n3A_255, %eq3A_256 : i32
        %select_n3A_258 = arith.constant 0 : i32
        %select_n3A_259 = arith.select %eq3A_257, %select_n3A_258, %select_n3A_255 : i32
        scf.yield %select_n3A_167, %select_n3A_251, %select_n3A_219, %select_n3A_244, %select_n3A_259 : i32, i32, i32, i32, i32
      }
      %scan3A_68 = arith.constant 32 : i32
      %sub3A = arith.constant 1 : i32
      %sub3A_69 = arith.subi %scan3A_67#4, %sub3A : i32
      %select_n3A_70 = arith.constant true
      %select_n3A_71 = arith.select %select_n3A_70, %sub3A_69, %scan3A_67#4 : i32
      %eq3A_72 = arith.constant -1 : i32
      %eq3A_73 = arith.cmpi eq, %select_n3A_71, %eq3A_72 : i32
      %select_n3A_74 = arith.constant 31 : i32
      %select_n3A_75 = arith.select %eq3A_73, %select_n3A_74, %select_n3A_71 : i32
      %add3A_76 = arith.addi %select_n3A_75, %mul3A_6 : i32
      %sub3A_77 = arith.constant 1 : i32
      %sub3A_78 = arith.subi %select_n3A_75, %sub3A_77 : i32
      %select_n3A_79 = arith.constant true
      %select_n3A_80 = arith.select %select_n3A_79, %sub3A_78, %select_n3A_75 : i32
      %eq3A_81 = arith.constant -1 : i32
      %eq3A_82 = arith.cmpi eq, %select_n3A_80, %eq3A_81 : i32
      %select_n3A_83 = arith.constant 31 : i32
      %select_n3A_84 = arith.select %eq3A_82, %select_n3A_83, %select_n3A_80 : i32
      %add3A_85 = arith.addi %select_n3A_84, %mul3A_6 : i32
      %add3A_86 = arith.constant 1 : i32
      %add3A_87 = arith.addi %select_n3A_75, %add3A_86 : i32
      %select_n3A_88 = arith.constant true
      %select_n3A_89 = arith.select %select_n3A_88, %add3A_87, %select_n3A_75 : i32
      %eq3A_90 = arith.constant 32 : i32
      %eq3A_91 = arith.cmpi eq, %select_n3A_89, %eq3A_90 : i32
      %select_n3A_92 = arith.constant 0 : i32
      %select_n3A_93 = arith.select %eq3A_91, %select_n3A_92, %select_n3A_89 : i32
      %add3A_94 = arith.addi %select_n3A_93, %mul3A_6 : i32
      %add3A_95 = arith.constant 1 : i32
      %add3A_96 = arith.addi %select_n3A_93, %add3A_95 : i32
      %select_n3A_97 = arith.constant true
      %select_n3A_98 = arith.select %select_n3A_97, %add3A_96, %select_n3A_93 : i32
      %eq3A_99 = arith.constant 32 : i32
      %eq3A_100 = arith.cmpi eq, %select_n3A_98, %eq3A_99 : i32
      %select_n3A_101 = arith.constant 0 : i32
      %select_n3A_102 = arith.select %eq3A_100, %select_n3A_101, %select_n3A_98 : i32
      %add3A_103 = arith.addi %select_n3A_102, %mul3A_6 : i32
      "tpu.trace_start"() <{level = 10 : i32, message = "ep_finalize"}> : () -> ()
      %rem3A_104 = arith.constant 2 : i32
      %rem3A_105 = arith.remui %scan3A_67#3, %rem3A_104 : i32
      %mul3A_106 = arith.constant 2048 : i32
      %mul3A_107 = arith.muli %mul3A_106, %add3A_76 : i32
      %dma_wait3A = arith.constant 0 : i32
      %dma_wait3A_108 = arith.constant 0 : i32
      %dma_wait3A_109 = tpu.memref_slice %run_scoped3A_8[%rem3A_105, %dma_wait3A, %dma_wait3A_108] : memref<2x1x2048xf32, #tpu.memory_space<vmem>> -> memref<1x1x2048xf32, #tpu.memory_space<vmem>>
      %dma_wait3A_110 = tpu.memref_squeeze %dma_wait3A_109 : memref<1x1x2048xf32, #tpu.memory_space<vmem>> -> memref<1x2048xf32, #tpu.memory_space<vmem>>
      %dma_wait3A_111 = arith.constant 0 : i32
      %dma_wait3A_112 = tpu.memref_slice %arg4[%dma_wait3A_111, %mul3A_107] : memref<1x2097152xf32, #tpu.memory_space<hbm>> -> memref<1x2048xf32, #tpu.memory_space<hbm>>
      %dma_wait3A_113 = tpu.memref_slice %run_scoped3A_9[%rem3A_105] : memref<2x!tpu.dma_semaphore, #tpu.memory_space<semaphore_mem>> -> memref<1x!tpu.dma_semaphore, #tpu.memory_space<semaphore_mem>>
      %dma_wait3A_114 = tpu.memref_squeeze %dma_wait3A_113 : memref<1x!tpu.dma_semaphore, #tpu.memory_space<semaphore_mem>> -> memref<!tpu.dma_semaphore, #tpu.memory_space<semaphore_mem>>
      %dma_wait3A_115 = arith.constant 0 : i32
      %dma_wait3A_116 = tpu.memref_slice %arg4[%dma_wait3A_115, %mul3A_107] : memref<1x2097152xf32, #tpu.memory_space<hbm>> -> memref<1x2048xf32, #tpu.memory_space<hbm>>
      %dma_wait3A_117 = arith.constant 0 : i32
      %dma_wait3A_118 = arith.constant 0 : i32
      %dma_wait3A_119 = tpu.memref_slice %run_scoped3A_8[%rem3A_105, %dma_wait3A_117, %dma_wait3A_118] : memref<2x1x2048xf32, #tpu.memory_space<vmem>> -> memref<1x1x2048xf32, #tpu.memory_space<vmem>>
      %dma_wait3A_120 = tpu.memref_squeeze %dma_wait3A_119 : memref<1x1x2048xf32, #tpu.memory_space<vmem>> -> memref<1x2048xf32, #tpu.memory_space<vmem>>
      tpu.wait_dma2 semaphore(%dma_wait3A_114 : memref<!tpu.dma_semaphore, #tpu.memory_space<semaphore_mem>>) src(%dma_wait3A_120 : memref<1x2048xf32, #tpu.memory_space<vmem>>) dst(%dma_wait3A_116 : memref<1x2048xf32, #tpu.memory_space<hbm>>)
      "tpu.trace_stop"() : () -> ()
      tpu.yield
    }) : () -> ()
    return
  }
}

module attributes {stable_mosaic.version = 14 : i64} {
  func.func @_tc_body(%arg0: i32, %arg1: memref<512x384xf32, #tpu.memory_space<vmem>>, %arg2: memref<512x384xf32, #tpu.memory_space<vmem>>, %arg3: memref<512x384xf32, #tpu.memory_space<vmem>>, %arg4: memref<512x128xf32, #tpu.memory_space<vmem>>, %arg5: memref<3x512x384xf32, #tpu.memory_space<vmem>>) attributes {dimension_semantics = [#tpu.dimension_semantics<arbitrary>], iteration_bounds = array<i64: 32>, scalar_prefetch = 0 : i64, scratch_operands = 0 : i64, tpu.core_type = #tpu.core_type<tc>, window_params = [{transform_indices = @transform_0, window_bounds = array<i64: 512, 384>}, {transform_indices = @transform_1, window_bounds = array<i64: 512, 384>}, {transform_indices = @transform_2, window_bounds = array<i64: 512, 384>}, {transform_indices = @transform_3, window_bounds = array<i64: 512, 128>}, {transform_indices = @transform_4, window_bounds = array<i64: 3, 512, 384>}]} {
    %get3A = arith.constant 0 : index
    %get3A_0 = arith.constant 0 : index
    %get3A_1 = vector.load %arg4[%get3A, %get3A_0] : memref<512x128xf32, #tpu.memory_space<vmem>>, vector<512x128xf32>
    %iota3A = tpu.iota {dimensions = array<i32: 0>} : vector<128x384xi32>
    %iota3A_2 = tpu.iota {dimensions = array<i32: 1>} : vector<128x384xi32>
    %mul3A = arith.constant 3 : i32
    %mul3A_3 = vector.broadcast %mul3A : i32 to vector<128x384xi32>
    %mul3A_4 = arith.muli %mul3A_3, %iota3A : vector<128x384xi32>
    %ge3A = arith.cmpi sge, %iota3A_2, %mul3A_4 : vector<128x384xi32>
    %mul3A_5 = arith.constant 3 : i32
    %mul3A_6 = vector.broadcast %mul3A_5 : i32 to vector<128x384xi32>
    %mul3A_7 = arith.muli %mul3A_6, %iota3A : vector<128x384xi32>
    %add3A = arith.constant 3 : i32
    %add3A_8 = vector.broadcast %add3A : i32 to vector<128x384xi32>
    %add3A_9 = arith.addi %mul3A_7, %add3A_8 : vector<128x384xi32>
    %lt3A = arith.cmpi slt, %iota3A_2, %add3A_9 : vector<128x384xi32>
    %and3A = arith.andi %ge3A, %lt3A : vector<128x384xi1>
    %jit3A = arith.constant 1.000000e+00 : f32
    %jit3A_10 = arith.constant 0.000000e+00 : f32
    %broadcast_in_dim3A = vector.broadcast %jit3A : f32 to vector<128x384xf32>
    %broadcast_in_dim3A_11 = vector.broadcast %jit3A_10 : f32 to vector<128x384xf32>
    %select_n3A = arith.select %and3A, %broadcast_in_dim3A, %broadcast_in_dim3A_11 : vector<128x384xi1>, vector<128x384xf32>
    %dot_general3A = arith.constant dense<0.000000e+00> : vector<512x384xf32>
    %dot_general3A_12 = tpu.matmul %get3A_1, %select_n3A, %dot_general3A {dimension_numbers = #tpu.dot_dimension_numbers<[1], [0], [0], [1], [0, 0, 1, 1], [], []>, transpose_lhs_hint = false} : vector<512x128xf32>, vector<128x384xf32>, vector<512x384xf32> -> vector<512x384xf32>
    %get3A_13 = arith.constant 0 : index
    %get3A_14 = arith.constant 0 : index
    %get3A_15 = vector.load %arg1[%get3A_13, %get3A_14] : memref<512x384xf32, #tpu.memory_space<vmem>>, vector<512x384xf32>
    %mul3A_16 = arith.constant 6.28318548 : f32
    %mul3A_17 = vector.broadcast %mul3A_16 : f32 to vector<512x384xf32>
    %mul3A_18 = arith.mulf %mul3A_17, %get3A_15 : vector<512x384xf32>
    %sub3A = arith.constant 3.14159274 : f32
    %sub3A_19 = vector.broadcast %sub3A : f32 to vector<512x384xf32>
    %sub3A_20 = arith.subf %mul3A_18, %sub3A_19 : vector<512x384xf32>
    %mul3A_21 = arith.mulf %sub3A_20, %sub3A_20 : vector<512x384xf32>
    %mul3A_22 = arith.constant 2.81145736E-15 : f32
    %mul3A_23 = vector.broadcast %mul3A_22 : f32 to vector<512x384xf32>
    %mul3A_24 = arith.mulf %mul3A_23, %mul3A_21 : vector<512x384xf32>
    %add3A_25 = arith.constant -7.6471636E-13 : f32
    %add3A_26 = vector.broadcast %add3A_25 : f32 to vector<512x384xf32>
    %add3A_27 = arith.addf %mul3A_24, %add3A_26 : vector<512x384xf32>
    %mul3A_28 = arith.mulf %add3A_27, %mul3A_21 : vector<512x384xf32>
    %add3A_29 = arith.constant 1.60590444E-10 : f32
    %add3A_30 = vector.broadcast %add3A_29 : f32 to vector<512x384xf32>
    %add3A_31 = arith.addf %mul3A_28, %add3A_30 : vector<512x384xf32>
    %mul3A_32 = arith.mulf %add3A_31, %mul3A_21 : vector<512x384xf32>
    %add3A_33 = arith.constant -2.50521079E-8 : f32
    %add3A_34 = vector.broadcast %add3A_33 : f32 to vector<512x384xf32>
    %add3A_35 = arith.addf %mul3A_32, %add3A_34 : vector<512x384xf32>
    %mul3A_36 = arith.mulf %add3A_35, %mul3A_21 : vector<512x384xf32>
    %add3A_37 = arith.constant 2.75573188E-6 : f32
    %add3A_38 = vector.broadcast %add3A_37 : f32 to vector<512x384xf32>
    %add3A_39 = arith.addf %mul3A_36, %add3A_38 : vector<512x384xf32>
    %mul3A_40 = arith.mulf %add3A_39, %mul3A_21 : vector<512x384xf32>
    %add3A_41 = arith.constant -1.98412701E-4 : f32
    %add3A_42 = vector.broadcast %add3A_41 : f32 to vector<512x384xf32>
    %add3A_43 = arith.addf %mul3A_40, %add3A_42 : vector<512x384xf32>
    %mul3A_44 = arith.mulf %add3A_43, %mul3A_21 : vector<512x384xf32>
    %add3A_45 = arith.constant 0.00833333377 : f32
    %add3A_46 = vector.broadcast %add3A_45 : f32 to vector<512x384xf32>
    %add3A_47 = arith.addf %mul3A_44, %add3A_46 : vector<512x384xf32>
    %mul3A_48 = arith.mulf %add3A_47, %mul3A_21 : vector<512x384xf32>
    %add3A_49 = arith.constant -0.166666672 : f32
    %add3A_50 = vector.broadcast %add3A_49 : f32 to vector<512x384xf32>
    %add3A_51 = arith.addf %mul3A_48, %add3A_50 : vector<512x384xf32>
    %mul3A_52 = arith.mulf %add3A_51, %mul3A_21 : vector<512x384xf32>
    %add3A_53 = arith.constant 1.000000e+00 : f32
    %add3A_54 = vector.broadcast %add3A_53 : f32 to vector<512x384xf32>
    %add3A_55 = arith.addf %mul3A_52, %add3A_54 : vector<512x384xf32>
    %mul3A_56 = arith.mulf %sub3A_20, %add3A_55 : vector<512x384xf32>
    %mul3A_57 = arith.constant 4.77947726E-14 : f32
    %mul3A_58 = vector.broadcast %mul3A_57 : f32 to vector<512x384xf32>
    %mul3A_59 = arith.mulf %mul3A_58, %mul3A_21 : vector<512x384xf32>
    %add3A_60 = arith.constant -1.14707454E-11 : f32
    %add3A_61 = vector.broadcast %add3A_60 : f32 to vector<512x384xf32>
    %add3A_62 = arith.addf %mul3A_59, %add3A_61 : vector<512x384xf32>
    %mul3A_63 = arith.mulf %add3A_62, %mul3A_21 : vector<512x384xf32>
    %add3A_64 = arith.constant 2.08767559E-9 : f32
    %add3A_65 = vector.broadcast %add3A_64 : f32 to vector<512x384xf32>
    %add3A_66 = arith.addf %mul3A_63, %add3A_65 : vector<512x384xf32>
    %mul3A_67 = arith.mulf %add3A_66, %mul3A_21 : vector<512x384xf32>
    %add3A_68 = arith.constant -2.755732E-7 : f32
    %add3A_69 = vector.broadcast %add3A_68 : f32 to vector<512x384xf32>
    %add3A_70 = arith.addf %mul3A_67, %add3A_69 : vector<512x384xf32>
    %mul3A_71 = arith.mulf %add3A_70, %mul3A_21 : vector<512x384xf32>
    %add3A_72 = arith.constant 2.48015876E-5 : f32
    %add3A_73 = vector.broadcast %add3A_72 : f32 to vector<512x384xf32>
    %add3A_74 = arith.addf %mul3A_71, %add3A_73 : vector<512x384xf32>
    %mul3A_75 = arith.mulf %add3A_74, %mul3A_21 : vector<512x384xf32>
    %add3A_76 = arith.constant -0.00138888892 : f32
    %add3A_77 = vector.broadcast %add3A_76 : f32 to vector<512x384xf32>
    %add3A_78 = arith.addf %mul3A_75, %add3A_77 : vector<512x384xf32>
    %mul3A_79 = arith.mulf %add3A_78, %mul3A_21 : vector<512x384xf32>
    %add3A_80 = arith.constant 0.0416666679 : f32
    %add3A_81 = vector.broadcast %add3A_80 : f32 to vector<512x384xf32>
    %add3A_82 = arith.addf %mul3A_79, %add3A_81 : vector<512x384xf32>
    %mul3A_83 = arith.mulf %add3A_82, %mul3A_21 : vector<512x384xf32>
    %add3A_84 = arith.constant -5.000000e-01 : f32
    %add3A_85 = vector.broadcast %add3A_84 : f32 to vector<512x384xf32>
    %add3A_86 = arith.addf %mul3A_83, %add3A_85 : vector<512x384xf32>
    %mul3A_87 = arith.mulf %add3A_86, %mul3A_21 : vector<512x384xf32>
    %add3A_88 = arith.constant 1.000000e+00 : f32
    %add3A_89 = vector.broadcast %add3A_88 : f32 to vector<512x384xf32>
    %add3A_90 = arith.addf %mul3A_87, %add3A_89 : vector<512x384xf32>
    %mul3A_91 = arith.mulf %dot_general3A_12, %add3A_90 : vector<512x384xf32>
    %get3A_92 = arith.constant 0 : index
    %get3A_93 = arith.constant 0 : index
    %get3A_94 = vector.load %arg2[%get3A_92, %get3A_93] : memref<512x384xf32, #tpu.memory_space<vmem>>, vector<512x384xf32>
    %add3A_95 = arith.addf %mul3A_91, %get3A_94 : vector<512x384xf32>
    %mul3A_96 = arith.mulf %dot_general3A_12, %mul3A_56 : vector<512x384xf32>
    %get3A_97 = arith.constant 0 : index
    %get3A_98 = arith.constant 0 : index
    %get3A_99 = vector.load %arg3[%get3A_97, %get3A_98] : memref<512x384xf32, #tpu.memory_space<vmem>>, vector<512x384xf32>
    %add3A_100 = arith.addf %mul3A_96, %get3A_99 : vector<512x384xf32>
    %abs3A = math.absf %add3A_95 : vector<512x384xf32>
    %abs3A_101 = math.absf %add3A_100 : vector<512x384xf32>
    %max3A = arith.maximumf %abs3A, %abs3A_101 : vector<512x384xf32>
    %min3A = arith.minimumf %abs3A, %abs3A_101 : vector<512x384xf32>
    %max3A_102 = arith.constant 9.99999991E-38 : f32
    %max3A_103 = vector.broadcast %max3A_102 : f32 to vector<512x384xf32>
    %max3A_104 = arith.maximumf %max3A, %max3A_103 : vector<512x384xf32>
    %div3A = arith.divf %min3A, %max3A_104 : vector<512x384xf32>
    %mul3A_105 = arith.mulf %div3A, %div3A : vector<512x384xf32>
    %mul3A_106 = arith.constant 2.083510e-02 : f32
    %mul3A_107 = vector.broadcast %mul3A_106 : f32 to vector<512x384xf32>
    %mul3A_108 = arith.mulf %mul3A_107, %mul3A_105 : vector<512x384xf32>
    %add3A_109 = arith.constant -8.513300e-02 : f32
    %add3A_110 = vector.broadcast %add3A_109 : f32 to vector<512x384xf32>
    %add3A_111 = arith.addf %mul3A_108, %add3A_110 : vector<512x384xf32>
    %mul3A_112 = arith.mulf %add3A_111, %mul3A_105 : vector<512x384xf32>
    %add3A_113 = arith.constant 1.801410e-01 : f32
    %add3A_114 = vector.broadcast %add3A_113 : f32 to vector<512x384xf32>
    %add3A_115 = arith.addf %mul3A_112, %add3A_114 : vector<512x384xf32>
    %mul3A_116 = arith.mulf %add3A_115, %mul3A_105 : vector<512x384xf32>
    %add3A_117 = arith.constant -0.330299497 : f32
    %add3A_118 = vector.broadcast %add3A_117 : f32 to vector<512x384xf32>
    %add3A_119 = arith.addf %mul3A_116, %add3A_118 : vector<512x384xf32>
    %mul3A_120 = arith.mulf %add3A_119, %mul3A_105 : vector<512x384xf32>
    %add3A_121 = arith.constant 9.998660e-01 : f32
    %add3A_122 = vector.broadcast %add3A_121 : f32 to vector<512x384xf32>
    %add3A_123 = arith.addf %mul3A_120, %add3A_122 : vector<512x384xf32>
    %mul3A_124 = arith.mulf %div3A, %add3A_123 : vector<512x384xf32>
    %gt3A = arith.cmpf ogt, %abs3A_101, %abs3A : vector<512x384xf32>
    %sub3A_125 = arith.constant 1.57079637 : f32
    %sub3A_126 = vector.broadcast %sub3A_125 : f32 to vector<512x384xf32>
    %sub3A_127 = arith.subf %sub3A_126, %mul3A_124 : vector<512x384xf32>
    %select_n3A_128 = arith.select %gt3A, %sub3A_127, %mul3A_124 : vector<512x384xi1>, vector<512x384xf32>
    %lt3A_129 = arith.constant 0.000000e+00 : f32
    %lt3A_130 = vector.broadcast %lt3A_129 : f32 to vector<512x384xf32>
    %lt3A_131 = arith.cmpf olt, %add3A_95, %lt3A_130 : vector<512x384xf32>
    %sub3A_132 = arith.constant 3.14159274 : f32
    %sub3A_133 = vector.broadcast %sub3A_132 : f32 to vector<512x384xf32>
    %sub3A_134 = arith.subf %sub3A_133, %select_n3A_128 : vector<512x384xf32>
    %select_n3A_135 = arith.select %lt3A_131, %sub3A_134, %select_n3A_128 : vector<512x384xi1>, vector<512x384xf32>
    %lt3A_136 = arith.constant 0.000000e+00 : f32
    %lt3A_137 = vector.broadcast %lt3A_136 : f32 to vector<512x384xf32>
    %lt3A_138 = arith.cmpf olt, %add3A_100, %lt3A_137 : vector<512x384xf32>
    %neg3A = arith.constant 0.000000e+00 : f32
    %neg3A_139 = vector.broadcast %neg3A : f32 to vector<512x384xf32>
    %neg3A_140 = arith.subf %neg3A_139, %select_n3A_135 : vector<512x384xf32>
    %select_n3A_141 = arith.select %lt3A_138, %neg3A_140, %select_n3A_135 : vector<512x384xi1>, vector<512x384xf32>
    %swap3A = arith.constant 0 : index
    %swap3A_142 = arith.constant 0 : index
    %swap3A_143 = arith.constant 0 : index
    %swap3A_144 = vector.load %arg5[%swap3A, %swap3A_142, %swap3A_143] : memref<3x512x384xf32, #tpu.memory_space<vmem>>, vector<1x512x384xf32>
    %swap3A_145 = vector.shape_cast %swap3A_144 : vector<1x512x384xf32> to vector<512x384xf32>
    %swap3A_146 = vector.shape_cast %add3A_95 : vector<512x384xf32> to vector<1x512x384xf32>
    tpu.vector_store %arg5[%swap3A, %swap3A_142, %swap3A_143], %swap3A_146 {strides = array<i32>} : memref<3x512x384xf32, #tpu.memory_space<vmem>>, vector<1x512x384xf32>,
    %swap3A_147 = arith.constant 1 : index
    %swap3A_148 = arith.constant 0 : index
    %swap3A_149 = arith.constant 0 : index
    %swap3A_150 = vector.load %arg5[%swap3A_147, %swap3A_148, %swap3A_149] : memref<3x512x384xf32, #tpu.memory_space<vmem>>, vector<1x512x384xf32>
    %swap3A_151 = vector.shape_cast %swap3A_150 : vector<1x512x384xf32> to vector<512x384xf32>
    %swap3A_152 = vector.shape_cast %add3A_100 : vector<512x384xf32> to vector<1x512x384xf32>
    tpu.vector_store %arg5[%swap3A_147, %swap3A_148, %swap3A_149], %swap3A_152 {strides = array<i32>} : memref<3x512x384xf32, #tpu.memory_space<vmem>>, vector<1x512x384xf32>,
    %mul3A_153 = arith.constant 0.159154937 : f32
    %mul3A_154 = vector.broadcast %mul3A_153 : f32 to vector<512x384xf32>
    %mul3A_155 = arith.mulf %select_n3A_141, %mul3A_154 : vector<512x384xf32>
    %add3A_156 = arith.constant 5.000000e-01 : f32
    %add3A_157 = vector.broadcast %add3A_156 : f32 to vector<512x384xf32>
    %add3A_158 = arith.addf %mul3A_155, %add3A_157 : vector<512x384xf32>
    %swap3A_159 = arith.constant 2 : index
    %swap3A_160 = arith.constant 0 : index
    %swap3A_161 = arith.constant 0 : index
    %swap3A_162 = vector.load %arg5[%swap3A_159, %swap3A_160, %swap3A_161] : memref<3x512x384xf32, #tpu.memory_space<vmem>>, vector<1x512x384xf32>
    %swap3A_163 = vector.shape_cast %swap3A_162 : vector<1x512x384xf32> to vector<512x384xf32>
    %swap3A_164 = vector.shape_cast %add3A_158 : vector<512x384xf32> to vector<1x512x384xf32>
    tpu.vector_store %arg5[%swap3A_159, %swap3A_160, %swap3A_161], %swap3A_164 {strides = array<i32>} : memref<3x512x384xf32, #tpu.memory_space<vmem>>, vector<1x512x384xf32>,
    return
  }
  func.func @transform_0(%arg0: i32) -> (i32, i32) {
    %c0_i32 = arith.constant 0 : i32
    %c0_i32_0 = arith.constant 0 : i32
    return %arg0, %c0_i32 : i32, i32
  }
  func.func @transform_1(%arg0: i32) -> (i32, i32) {
    %c0_i32 = arith.constant 0 : i32
    %c0_i32_0 = arith.constant 0 : i32
    return %arg0, %c0_i32 : i32, i32
  }
  func.func @transform_2(%arg0: i32) -> (i32, i32) {
    %c0_i32 = arith.constant 0 : i32
    %c0_i32_0 = arith.constant 0 : i32
    return %arg0, %c0_i32 : i32, i32
  }
  func.func @transform_3(%arg0: i32) -> (i32, i32) {
    %c0_i32 = arith.constant 0 : i32
    %c0_i32_0 = arith.constant 0 : i32
    return %arg0, %c0_i32 : i32, i32
  }
  func.func @transform_4(%arg0: i32) -> (i32, i32, i32) {
    %c0_i32 = arith.constant 0 : i32
    %c0_i32_0 = arith.constant 0 : i32
    %c0_i32_1 = arith.constant 0 : i32
    return %c0_i32, %arg0, %c0_i32_0 : i32, i32, i32
  }
}

</mosaic_0001>

<sc_bundles>
// kernel: kernel.4.cloned.1.call-start
scs
__scs_entry_jumppad:
0x0: {  	(pc) =	sbr.rel $0x88, $3  }
0x1: {  	(tag) =	ssettag $0x0;
	lr =	simm.s32 $0x1  }
0x2: {  	[smem:$0x3F9C] =	sst lr;
	_ =	strace $0xD0000000  }
0x3: {  	_ = 	snop  }
0x4: {  	_ = 	snop  }
0x5: {  	_ = 	snop  }
0x6: {  	_ = 	snop  }
0x7: {  	_ = 	snop  }
__scs_overlays_trampoline_lowered:
0x8: {  	[smem:$0x3FAB] =	sst s0  }
0x9: {  	[smem:$0x3FAC] =	sst s1  }
0xa: {  	[smem:$0x3FAD] =	sst s2  }
0xb: {  	[smem:$0x3FAE] =	sst s3  }
0xc: {  	[smem:$0x3FAF] =	sst s4  }
0xd: {  	[smem:$0x3FB0] =	sst s5  }
0xe: {  	[smem:$0x3FB1] =	sst s6  }
0xf: {  	[smem:$0x3FB2] =	sst s7  }
0x10: {  	[smem:$0x3FB3] =	sst s8  }
0x11: {  	[smem:$0x3FB4] =	sst s9;
	s0 =	simm.s32 @!p0 $0x0  }
0x12: {  	s1 =	sld [smem:$0x3F9A];
	s0 =	simm.s32 @p0 $0x1  }
0x13: {  	[smem:$0x3FB5] =	sst s0;
	s0 =	simm.s32 @!p1 $0x0  }
0x14: {  	s2 =	sld [smem:$0x3F99];
	s0 =	simm.s32 @p1 $0x1  }
0x15: {  	[smem:$0x3FB6] =	sst s0;
	s0 =	simm.s32 @!p2 $0x0  }
0x16: {  	s3 =	sld [smem:$0x3FDB];
	s0 =	simm.s32 @p2 $0x1  }
0x17: {  	s4 =	simm.s32 $0x1BF5;
	[smem:$0x3FB8] =	sst s0  }
0x18: {  	s0 =	sld [smem:$0x3F9B];
	_ =	swait.ge [sflag:s4], $0x0  }
0x19: {  	s7 =	sld [smem:$0x3F9C]  }
0x1a: {  	s8 =	sadd.s32 $0xFFFFE003, lr  }
0x1b: {  	s9 =	sadd.s32 $0xFFFFFEF7, lr;
	s5 =	simm.s32 $0xFFFFFFFF;
	p2 =	slt.u32 s8, $0xFFFFF086  }
0x1c: {  	p1 =	slt.u32 s9, $0xF7A;
	s5 =	simm.s32 @!p2 $0x0  }
0x1d: {  	s5 =	simm.s32 @p1 $0x1;
	p0 =	seq.s32 s7, s2  }
0x1e: {  	s7 =	smul.u32 @!p0 $0xF7A, s2;
	p2 =	seq.s32 @!p0 s5, $0x0  }
0x1f: {  	s9 =	smul.u32 $0xF7A, s1;
	s8 =	simm.s32 @!p0 $0x1BF5;
	p2 =	por !p2, p0  }
0x20: {  	[sflag:s8] =	ssyncset.s32 @!p0 $0xFFFFF086;
	s6 =	sadd.s32 @!p0 s3, s7;
	s7 =	simm.s32 @!p0 $0x108  }
0x21: {  	s3 =	sadd.s32 s3, s9;
	s6 =	sadd.s32 @!p0 $0x88, s6;
	s7 =	simm.s32 @p2 $0x1082  }
0x22: {  	[simem:s7], [sflag:s8] =	dma.local @!p0 [hbm:s6], $0xF7A  }
0x23: {  	s9 =	sor.u32 $0xD0000000, s2;
	s6 =	simm.s32 $0x108;
	_ =	swait.ge @!p0 [sflag:s8], $0x0  }
0x24: {  	s3 =	sadd.s32 $0x88, s3;
	s6 =	simm.s32 @!p1 $0x1082;
	[sflag:s4] =	ssyncset.s32 $0xFFFFF086  }
0x25: {  	[simem:s6], [sflag:s4] =	dma.local [hbm:s3], $0xF7A  }
0x26: {  	[smem:$0x3F9C] =	sst s1;
	(tag) =	ssettag s2;
	_ =	strace s9  }
0x27: {  	s1 =	sld [smem:$0x3FAC]  }
0x28: {  	s2 =	sld [smem:$0x3FAD]  }
0x29: {  	s4 =	sld [smem:$0x3FAF]  }
0x2a: {  	p0 =	seq.s32 s5, $0x0;
	s5 =	sld [smem:$0x3FB0]  }
0x2b: {  	s6 =	sld [smem:$0x3FB1]  }
0x2c: {  	s7 =	sld [smem:$0x3FB2]  }
0x2d: {  	s3 =	simm.s32 $0x108;
	s8 =	sld [smem:$0x3FB3]  }
0x2e: {  	s3 =	simm.s32 @!p0 $0x1082;
	s9 =	sld [smem:$0x3FB4]  }
0x2f: {  	lr =	sadd.s32 s0, s3;
	s0 =	sld [smem:$0x3FAB]  }
0x30: {  	s3 =	sld [smem:$0x3FAE]  }
0x31: {  	[smem:$0x3FB7] =	sst s10  }
0x32: {  	s10 =	sld [smem:$0x3FB5];
	_ =	sdelay $0x3  }
0x33: {  	p0 =	seq.s32 s10, $0x1;
	s10 =	sld [smem:$0x3FB7];
	_ =	sdelay $0x3  }
0x34: {  	[smem:$0x3FB7] =	sst s10  }
0x35: {  	s10 =	sld [smem:$0x3FB6];
	_ =	sdelay $0x3  }
0x36: {  	p1 =	seq.s32 s10, $0x1;
	s10 =	sld [smem:$0x3FB7];
	_ =	sdelay $0x3  }
0x37: {  	[smem:$0x3FB7] =	sst s10  }
0x38: {  	s10 =	sld [smem:$0x3FB8]  }
0x39: {  	_ = 	snop;
	(pc) =	sbr.ind lr, $3  }
0x3a: {  	_ = 	snop  }
0x3b: {  	_ = 	snop  }
0x3c: {  	p2 =	seq.s32 s10, $0x1;
	s10 =	sld [smem:$0x3FB7]  }
0x3d: {  	_ =	shalt  }
0x3e: {  	_ =	shalt  }
0x3f: {  	_ =	shalt  }
0x40: {  	_ =	shalt  }
0x41: {  	_ =	shalt  }
0x42: {  	_ =	shalt  }
0x43: {  	_ =	shalt  }
0x44: {  	_ =	shalt  }
0x45: {  	_ =	shalt  }
0x46: {  	_ =	shalt  }
0x47: {  	_ =	shalt  }
0x48: {  	_ =	shalt  }
0x49: {  	_ =	shalt  }
0x4a: {  	_ =	shalt  }
0x4b: {  	_ =	shalt  }
0x4c: {  	_ =	shalt  }
0x4d: {  	_ =	shalt  }
0x4e: {  	_ =	shalt  }
0x4f: {  	_ =	shalt  }
0x50: {  	_ =	shalt  }
0x51: {  	_ =	shalt  }
0x52: {  	_ =	shalt  }
0x53: {  	_ =	shalt  }
0x54: {  	_ =	shalt  }
0x55: {  	_ =	shalt  }
0x56: {  	_ =	shalt  }
0x57: {  	_ =	shalt  }
0x58: {  	_ =	shalt  }
0x59: {  	_ =	shalt  }
0x5a: {  	_ =	shalt  }
0x5b: {  	_ =	shalt  }
0x5c: {  	_ =	shalt  }
0x5d: {  	_ =	shalt  }
0x5e: {  	_ =	shalt  }
0x5f: {  	_ =	shalt  }
0x60: {  	_ =	shalt  }
0x61: {  	_ =	shalt  }
0x62: {  	_ =	shalt  }
0x63: {  	_ =	shalt  }
0x64: {  	_ =	shalt  }
0x65: {  	_ =	shalt  }
0x66: {  	_ =	shalt  }
0x67: {  	_ =	shalt  }
0x68: {  	_ =	shalt  }
0x69: {  	_ =	shalt  }
0x6a: {  	_ =	shalt  }
0x6b: {  	_ =	shalt  }
0x6c: {  	_ =	shalt  }
0x6d: {  	_ =	shalt  }
0x6e: {  	_ =	shalt  }
0x6f: {  	_ =	shalt  }
0x70: {  	_ =	shalt  }
0x71: {  	_ =	shalt  }
0x72: {  	_ =	shalt  }
0x73: {  	_ =	shalt  }
0x74: {  	_ =	shalt  }
0x75: {  	_ =	shalt  }
0x76: {  	_ =	shalt  }
0x77: {  	_ =	shalt  }
0x78: {  	_ =	shalt  }
0x79: {  	_ =	shalt  }
0x7a: {  	_ =	shalt  }
0x7b: {  	_ =	shalt  }
0x7c: {  	_ =	shalt  }
0x7d: {  	_ =	shalt  }
0x7e: {  	_ =	shalt  }
0x7f: {  	_ =	shalt  }
0x80: {  	_ =	shalt  }
0x81: {  	_ =	shalt  }
0x82: {  	_ =	shalt  }
0x83: {  	_ =	shalt  }
0x84: {  	_ =	shalt  }
0x85: {  	_ =	shalt  }
0x86: {  	_ =	shalt  }
0x87: {  	_ =	shalt  }
.Lfunc_end0:
.L_simem_size_0:
called_computation.1_lowered:
.L_overlay_start_0:
0x88: {  	s2 =	sld [smem:$0x3FD9]  }
0x89: {  	s3 =	sld [smem:$0x3FFE];
	_ =	sdelay $0x1  }
0x8a: {  	s1 =	srdreg.scid  }
0x8b: {  	s0 =	sand.u32 $0x1, s1  }
0x8c: {  	s18 =	sshll.u32 s0, $0xA;
	s2 =	sadd.s32 s3, s2  }
0x8d: {  	s2 =	sadd.s32 s2, s18  }
0x8e: {  	[smem:$0x3FC3] =	sst s2  }
0x8f: {  	_ = 	snop  }
0x90: {  	s2 =	sld [smem:$0x3FC6]  }
0x91: {  	s19 =	sld [smem:$0x3FC5]  }
0x92: {  	s4 =	sld [smem:$0x3FD0];
	(tm) =	ssettm $0x1  }
0x93: {  	s5 =	sld [smem:$0x3FFB];
	_ =	sdelay $0x3  }
0x94: {  	_ =	strace s5  }
0x95: {  	s5 =	sld [smem:$0x3FFC];
	_ =	sdelay $0x3  }
0x96: {  	_ =	strace s5  }
0x97: {  	s5 =	sld [smem:$0x3FFD];
	_ =	sdelay $0x3  }
0x98: {  	_ =	strace s5  }
0x99: {  	_ =	strace $0x8FFFFFFF  }
0x9a: {  	s20 =	sld [smem:$0x3FDB];
	_ =	sdelay $0x1  }
0x9b: {  	s6 =	simm.s32 $_scs_section_size  }
0x9c: {  	s7 =	simm.s32 $_size__tile_overlayer_lowered;
	s8 =	simm.s32 $_tile_overlayer_lowered  }
0x9d: {  	s23 =	simm.s32 $0x1BFF;
	s22 =	sshll.u32 s8, $0x1;
	s5 =	sadd.s32 s6, s20  }
0x9e: {  	s9 =	simm.s32 $0x0;
	s21 =	sshll.u32 s7, $0x1;
	s7 =	sadd.s32 s22, s5  }
0x9f: {  	[timem:s9], [sflag:s23] =	dma.local [hbm:s7], s21  }
0xa0: {  	_ =	swait.ge [sflag:s23], s21  }
0xa1: {  	s6 =	ssub.s32 $0x0, s21;
	[sflag:s23] =	ssyncset.done $0x0  }
0xa2: {  	[sflag:s23] =	ssyncadd.s32 s6;
	_ =	sdelay $0x1  }
0xa3: {  	s24 =	simm.s32 $0x1B8B  }
0xa4: {  	_ =	swait.ge [sflag:s24], $0x1  }
0xa5: {  	[sflag:s24] =	ssyncset.done $0x0  }
0xa6: {  	s25 =	simm.s32 $0x1B8E;
	[sflag:s24] =	ssyncadd.s32 $0xFFFFFFFF  }
0xa7: {  	s26 =	simm.s32 $execute0_lowered;
	[smem:$0x3FD2] =	sst s25  }
0xa8: {  	s6 =	sshll.u32 s26, $0x1;
	_ =	strace $0x80000046;
	[dreg:$0x1] =	wrdreg $0xFFFFFFFF  }
0xa9: {  	s28 =	simm.s32 $_size_execute0_lowered;
	s5 =	sadd.s32 s5, s6;
	[dreg:$0x0] =	wrdreg $0x0  }
0xaa: {  	s6 =	sshll.u32 s28, $0x1;
	[dreg:$0x2] =	wrdreg s5  }
0xab: {  	[dreg:$0x3] =	wrdreg s6  }
0xac: {  	[dreg:$0x4] =	wrdreg $0xC0  }
0xad: {  	_ =	task [dreg:s9], $0x5FFFF  }
0xae: {  	[dreg:$0x1] =	wrdreg $0xFFFFFFFF  }
0xaf: {  	[dreg:$0x0] =	wrdreg $0x60  }
0xb0: {  	[dreg:$0x2] =	wrdreg s2  }
0xb1: {  	[dreg:$0x3] =	wrdreg s19  }
0xb2: {  	[dreg:$0x4] =	wrdreg s4  }
0xb3: {  	[dreg:$0x5] =	wrdreg $0x9  }
0xb4: {  	_ =	task.clear_ibuf [dreg:s9], $0x6FFFF;
	_ =	strace $0x90000046  }
0xb5: {  	s29 =	simm.s32 $0x9;
	_ =	strace $0x8000004F  }
0xb6: {  	_ =	swait.ge [sflag:s29], $0x1  }
0xb7: {  	[sflag:s29] =	ssyncadd.s32 $0xFFFFFFFF  }
0xb8: {  	_ =	strace $0x9000004F  }
0xb9: {  	_ =	sfence  }
0xba: {  	s30 =	sld [smem:$0x0];
	_ =	sdelay $0x2  }
0xbb: {  	s31 =	sshll.u32 s1, $0xD;
	s1 =	sshrl.u32 s1, $0x2  }
0xbc: {  	s3 =	sand.u32 $0x4000, s31;
	s1 =	sadd.s32 s1, s30  }
0xbd: {  	s0 =	sor.u32 s3, s0;
	s1 =	sshll.u32 s1, $0x11  }
0xbe: {  	s0 =	sor.u32 s1, s0  }
0xbf: {  	s0 =	sadd.s32 $0x8F2B, s0  }
0xc0: {  	[sflag:s0] =	ssyncadd.remote.s32 $0x1  }
0xc1: {  	_ =	sfence.sel $0xFFFF  }
0xc2: {  	[dreg:$0x0] =	wrdreg $0xFFFFFFFF;
	(pc) =	sbr.abs _section_cstart, $3  }
0xc3: {  	[dreg:$0x1] =	wrdreg $0xFFFFFFFF  }
0xc4: {  	_ =	task.clear_ibuf [dreg:s9], $0x2FFFF;
	_ =	strace $0x9FFFFFFF  }
0xc5: {  	(tm) =	ssettm $0x7FFFFFFF  }
tec
execute0_lowered:
.L_overlay_start_1:
0x0: {  	(tag) =	ssettag $0x1  }
0x1: {  	s1 =	rddreg [dreg:$0x0]  }
0x2: {  	s2 =	rddreg [dreg:$0x1]  }
0x3: {  	s3 =	rddreg [dreg:$0x2]  }
0x4: {  	s0 =	rddreg [dreg:$0x3];
	s5 =	simm.s32 $0x0  }
0x5: {  	s4 =	srdreg.scid;
	s10 =	simm.s32 $0x1;
	s11 =	simm.s32 $0x4  }
0x6: {  	s12 =	simm.s32 $0x0;
	[smem:$0x7FF] =	sst s5;
	s6 =	sand.u32 $0x1, s4  }
0x7: {  	s4 =	stileid.u32;
	s7 =	ssub.s32 $0x2, s6;
	s6 =	sshll.u32 s6, $0x4  }
0x8: {  	_ =	strace $0x80000047;
	s8 =	sshrl.u32 s7, $0x1;
	s9 =	sor.u32 s4, s6  }
0x9: {  	s8 =	ssub.s32 s7, s8;
	s6 =	sshll.u32 s9, $0x5;
	s31 =	sshll.u32 s9, $0xD  }
0xa: {  	s9 =	simm.s32 $0x80;
	s7 =	sadd.s32 s1, s31;
	s8 =	smax.u32 s8, $0x1  }
.LBB2_1:
0xb: {  	[tilespmem:s5], [sflag:$0x1] =	stream.linear.gather [hbm4b:s2+s5], $0x80, $0x38;
	[tilespmem:$0x2080] =	vst v63  }
0xc: {  	_ =	swait.ge [sflag:s10], $0x80  }
0xd: {  	[sflag:s10] =	ssyncset.done $0x0  }
0xe: {  	s13 =	simm.s32 $0x0;
	s14 =	simm.s32 $0x0;
	[sflag:s10] =	ssyncadd.s32 $0xFFFFFF80  }
0xf: {  	s15 =	simm.s32 $0x0;
	s16 =	simm.s32 $0x0;
	_ =	strace $0x80000048  }
0x10: {  	[tilespmem:s9], [sflag:$0x1] =	stream.linear.gather [hbm4b:s7+s5], $0x800, $0x200038;
	[tilespmem:$0x2080] =	vst v63  }
0x11: {  	s17 =	simm.s32 $0x1;
	s18 =	simm.s32 $0x0;
	_ =	strace $0x90000048  }
.LBB2_2:
0x12: {  	s19 =	smov.u32 s13;
	s13 =	sadd.s32 $0x1, s13  }
0x13: {  	p0 =	seq.s32 s13, $0x20  }
0x14: {  	s13 =	simm.s32 @p0 $0x0  }
0x15: {  	p6 =	sne.s32 s18, $0x1F;
	p1 =	sne.s32 s19, s13  }
0x16: {  	p0 =	por !p6, !p1  }
0x17: {  	p0 =	por !p0, !p0  }
0x18: {  	s28 =	sshll.u32 s16, $0xB;
	s21 =	sadd.s32 @p0 s6, s13  }
0x19: {  	s20 =	sand.u32 @p0 $0x1, s17;
	_ =	strace @p0 $0x80000049;
	s21 =	sshll.u32 @p0 s21, $0x8  }
0x1a: {  	s23 =	simm.s32 @p0 $0x0;
	s22 =	sshll.u32 @p0 s20, $0xB;
	s21 =	sand.u32 @p0 $0x1FFFFF00, s21  }
0x1b: {  	s20 =	sadd.s32 @p0 $0x1, s20;
	s22 =	sor.u32 @p0 $0x80, s22;
	s21 =	sadd.s32 @p0 s1, s21  }
0x1c: {  	[tilespmem:s22], [sflag:s20] =	stream.linear.gather @p0 [hbm4b:s21+s23], $0x800, $0x200038;
	[tilespmem:$0x2080] =	vst v63  }
0x1d: {  	s25 =	sand.u32 $0x1, s16;
	s29 =	sand.u32 $0x800, s28;
	_ =	strace @p0 $0x90000049  }
0x1e: {  	s26 =	sadd.s32 $0x1, s25;
	s31 =	sor.u32 $0x80, s29;
	_ =	strace $0x8000004A  }
0x1f: {  	v1 =	vmov s31;
	_ =	swait.ge [sflag:s26], $0x800  }
0x20: {  	s20 =	sand.u32 $0x1, s15;
	[sflag:s26] =	ssyncset.done $0x0  }
0x21: {  	s30 =	sshll.u32 s20, $0xB;
	[sflag:s26] =	ssyncadd.s32 $0xFFFFF800  }
0x22: {  	s19 =	sadd.s32 s6, s19;
	s21 =	sor.u32 $0x1080, s30;
	_ =	strace $0x9000004A  }
0x23: {  	s22 =	simm.s32 $0x0;
	s23 =	simm.s32 $0x40;
	v0 =	vmov s21;
	_ =	strace $0x8000004B  }
.LBB2_3:
0x24: {  	p2 =	sne.s32 s23, $0x1FC0;
	v2 =	vld.idx.msk [tilespmem:v1+s22+$0x0 ss:$0x1], $0xffff;
	_ =	sdelay $0x7  }
0x25: {  	v2 =	vld.idx.msk [tilespmem:v2+s5+$0x0], $0xffff;
	_ =	sdelay $0x1  }
.Ltmp0:
0x26: {  	(pc) =	sbr.rel @p2 .LBB2_3-.Ltmp0, $2  }
0x27: {  	_ =	sdelay $0x2  }
0x28: {  	[tilespmem:v0+s22+$0x0 ss:$0x1] =	vst.idx.msk $0xffff, v2;
	s22 =	sshra.s32 s23, $0x2;
	s23 =	sadd.s32 $0x40, s23  }
0x29: {  	_ =	sdelay $0x3  }
0x2a: {  	v1 =	vld.idx.msk [tilespmem:v1+s22+$0x0 ss:$0x1], $0xffff;
	_ =	sdelay $0x7  }
0x2b: {  	v1 =	vld.idx.msk [tilespmem:v1+s5+$0x0], $0xffff;
	_ =	sdelay $0x2  }
0x2c: {  	p2 =	seq.s32 s18, $0x1F  }
0x2d: {  	p1 =	por p2, p1  }
0x2e: {  	s19 =	sshll.u32 @p1 s19, $0x8;
	[tilespmem:v0+s22+$0x0 ss:$0x1] =	vst.idx.msk $0xffff, v1  }
0x2f: {  	s20 =	sadd.s32 @p1 $0x3, s20;
	s19 =	sand.u32 @p1 $0x1FFFFF00, s19;
	_ =	strace $0x9000004B  }
0x30: {  	s19 =	sadd.s32 @p1 s3, s19;
	s22 =	simm.s32 @p1 $0x0;
	_ =	strace @p1 $0x8000004C  }
0x31: {  	[hbm4b:s19+s22] =	stream.linear.scatter @p1 [tilespmem:s21], [sflag:s20], $0x800, $0x200038;
	[tilespmem:$0x2080] =	vst v63  }
0x32: {  	s19 =	simm.s32 $0x1  }
0x33: {  	s21 =	simm.s32 $0x1;
	s19 =	simm.s32 @!p0 $0x0;
	p0 =	seq.s32 s18, $0x0  }
0x34: {  	_ =	strace @p1 $0x9000004C;
	s17 =	sadd.s32 s19, s17;
	s19 =	simm.s32 $0x1  }
0x35: {  	s19 =	simm.s32 @!p1 $0x0;
	p1 =	sne.s32 s18, $0x0;
	s18 =	sadd.s32 $0x1, s18  }
0x36: {  	s20 =	sand.u32 @!p0 $0x1, s14;
	s21 =	simm.s32 @!p1 $0x0;
	p1 =	sne.s32 s18, $0x20  }
.Ltmp1:
0x37: {  	_ =	strace @!p0 $0x8000004D;
	s20 =	sadd.s32 @!p0 $0x3, s20;
	(pc) =	sbr.rel @p1 .LBB2_2-.Ltmp1, $4  }
0x38: {  	_ =	swait.ge @!p0 [sflag:s20], $0x800  }
0x39: {  	[sflag:s20] =	ssyncset.done @!p0 $0x0  }
0x3a: {  	s15 =	sadd.s32 s19, s15;
	[sflag:s20] =	ssyncadd.s32 @!p0 $0xFFFFF800  }
0x3b: {  	s16 =	sadd.s32 s19, s16;
	s14 =	sadd.s32 s21, s14;
	_ =	strace @!p0 $0x9000004D  }
0x3c: {  	s12 =	sadd.s32 $0x1, s12  }
0x3d: {  	p0 =	sne.s32 s12, s8  }
.Ltmp2:
0x3e: {  	_ =	strace $0x8000004E;
	(pc) =	sbr.rel @p0 .LBB2_1-.Ltmp2, $4  }
0x3f: {  	_ =	swait.ge [sflag:s11], $0x800  }
0x40: {  	[sflag:s11] =	ssyncset.done $0x0  }
0x41: {  	[sflag:s11] =	ssyncadd.s32 $0xFFFFF800  }
0x42: {  	_ =	strace $0x9000004E  }
0x43: {  	_ =	sfence.sel $0x180000  }
0x44: {  	[bflag:$0x0] =	sbarrier.arrive $0xFFFF  }
0x45: {  	p0 =	sne.s32 s4, $0x0;
	_ =	strace $0x90000047  }
0x46: {  	s0 =	sadd.s32 @!p0 $0x100000, s0;
	[bflag:$0x2] =	sbarrier.arrive $0xFFFF  }
0x47: {  	[sflag:s0] =	ssyncadd.tile.s32 @!p0 $0x1;
	_ =	shalt  }
.Lfunc_end2:
_tile_overlayer_lowered:
.L_overlay_start_2:
0x48: {  	(tag) =	ssettag $0x2  }
0x49: {  	s0 =	rddreg [dreg:$0x0];
	s2 =	stileid.u32  }
0x4a: {  	s1 =	rddreg [dreg:$0x1];
	p0 =	sne.s32 s2, $0x0  }
0x4b: {  	s3 =	rddreg [dreg:$0x2];
	[bflag:$0x3] =	sbarrier.arrive $0xFFFF;
	s2 =	simm.s32 @!p0 $0x1C01  }
0x4c: {  	[timem:s3], [sflag:s2] =	dma.local @!p0 [hbm:s0], s1  }
0x4d: {  	s0 =	simm.s32 @!p0 $0x1  }
0x4e: {  	_ =	swait.ge @!p0 [sflag:s0], s1  }
0x4f: {  	s1 =	ssub.s32 @!p0 $0x0, s1;
	[sflag:s0] =	ssyncset.done @!p0 $0x0  }
0x50: {  	[sflag:s0] =	ssyncadd.s32 @!p0 s1  }
0x51: {  	[bflag:$0x3] =	sbarrier.arrive $0xFFFF  }
0x52: {  	_ =	shalt  }

// kernel: sparse-core-data-format-call.cloned.1.call-start
scs
called_computation_lowered:
.L_overlay_start_0:
0x0: {  	s2 =	sld [smem:$0x3FD9]  }
0x1: {  	s3 =	sld [smem:$0x3FFE];
	_ =	sdelay $0x1  }
0x2: {  	s1 =	srdreg.scid  }
0x3: {  	s0 =	sand.u32 $0x1, s1  }
0x4: {  	s18 =	sshll.u32 s0, $0xA;
	s2 =	sadd.s32 s3, s2  }
0x5: {  	s2 =	sadd.s32 s2, s18  }
0x6: {  	[smem:$0x3FC3] =	sst s2  }
0x7: {  	_ = 	snop  }
0x8: {  	s2 =	sld [smem:$0x3FD0];
	(tm) =	ssettm $0x1  }
0x9: {  	s19 =	sld [smem:$0x3FFB];
	_ =	sdelay $0x3  }
0xa: {  	_ =	strace s19  }
0xb: {  	s3 =	sld [smem:$0x3FFC];
	_ =	sdelay $0x3  }
0xc: {  	_ =	strace s3  }
0xd: {  	s3 =	sld [smem:$0x3FFD];
	_ =	sdelay $0x3  }
0xe: {  	_ =	strace s3  }
0xf: {  	_ =	strace $0x8FFFFFFF  }
0x10: {  	s20 =	sld [smem:$0x3FDB];
	_ =	sdelay $0x1  }
0x11: {  	s4 =	simm.s32 $_scs_section_size  }
0x12: {  	s5 =	simm.s32 $_size__tile_overlayer_lowered;
	s6 =	simm.s32 $_tile_overlayer_lowered  }
0x13: {  	s23 =	simm.s32 $0x1BFF;
	s22 =	sshll.u32 s6, $0x1;
	s3 =	sadd.s32 s4, s20  }
0x14: {  	s7 =	simm.s32 $0x0;
	s21 =	sshll.u32 s5, $0x1;
	s5 =	sadd.s32 s22, s3  }
0x15: {  	[timem:s7], [sflag:s23] =	dma.local [hbm:s5], s21  }
0x16: {  	_ =	swait.ge [sflag:s23], s21  }
0x17: {  	s4 =	ssub.s32 $0x0, s21;
	[sflag:s23] =	ssyncset.done $0x0  }
0x18: {  	[sflag:s23] =	ssyncadd.s32 s4;
	_ =	sdelay $0x1  }
0x19: {  	s24 =	simm.s32 $0x1B8B  }
0x1a: {  	_ =	swait.ge [sflag:s24], $0x1  }
0x1b: {  	[sflag:s24] =	ssyncset.done $0x0  }
0x1c: {  	s26 =	simm.s32 $0x1B8E;
	s25 =	sld [smem:$0x3FFE];
	[sflag:s24] =	ssyncadd.s32 $0xFFFFFFFF  }
0x1d: {  	s27 =	simm.s32 $execute0_lowered;
	[smem:$0x3FD2] =	sst s26  }
0x1e: {  	s5 =	sshll.u32 s27, $0x1;
	_ =	strace $0x80000050;
	[dreg:$0x1] =	wrdreg $0xFFFFFFFF  }
0x1f: {  	s28 =	simm.s32 $_size_execute0_lowered;
	s3 =	sadd.s32 s3, s5;
	[dreg:$0x0] =	wrdreg $0x0  }
0x20: {  	s5 =	sshll.u32 s28, $0x1;
	[dreg:$0x2] =	wrdreg s3  }
0x21: {  	[dreg:$0x3] =	wrdreg s5  }
0x22: {  	[dreg:$0x4] =	wrdreg $0xC0  }
0x23: {  	_ =	task [dreg:s7], $0x5FFFF  }
0x24: {  	[dreg:$0x1] =	wrdreg $0xFFFFFFFF  }
0x25: {  	[dreg:$0x0] =	wrdreg $0x60  }
0x26: {  	[dreg:$0x2] =	wrdreg s25  }
0x27: {  	[dreg:$0x3] =	wrdreg s2  }
0x28: {  	[dreg:$0x4] =	wrdreg $0x9  }
0x29: {  	_ =	task.clear_ibuf [dreg:s7], $0x5FFFF;
	_ =	strace $0x90000050  }
0x2a: {  	s29 =	simm.s32 $0x9;
	_ =	strace $0x80000052  }
0x2b: {  	_ =	swait.ge [sflag:s29], $0x1  }
0x2c: {  	[sflag:s29] =	ssyncadd.s32 $0xFFFFFFFF  }
0x2d: {  	_ =	strace $0x90000052  }
0x2e: {  	_ =	sfence  }
0x2f: {  	s30 =	sld [smem:$0x0];
	_ =	sdelay $0x2  }
0x30: {  	s31 =	sshll.u32 s1, $0xD;
	s1 =	sshrl.u32 s1, $0x2  }
0x31: {  	s3 =	sand.u32 $0x4000, s31;
	s1 =	sadd.s32 s1, s30  }
0x32: {  	s0 =	sor.u32 s3, s0;
	s1 =	sshll.u32 s1, $0x11  }
0x33: {  	s0 =	sor.u32 s1, s0  }
0x34: {  	s0 =	sadd.s32 $0x8F2B, s0  }
0x35: {  	[sflag:s0] =	ssyncadd.remote.s32 $0x1  }
0x36: {  	_ =	sfence.sel $0xFFFF  }
0x37: {  	[dreg:$0x0] =	wrdreg $0xFFFFFFFF;
	(pc) =	sbr.abs _section_cstart, $3  }
0x38: {  	[dreg:$0x1] =	wrdreg $0xFFFFFFFF  }
0x39: {  	_ =	task.clear_ibuf [dreg:s7], $0x2FFFF;
	_ =	strace $0x9FFFFFFF  }
0x3a: {  	(tm) =	ssettm $0x7FFFFFFF  }
0x3b: {  	_ =	shalt  }
tec
execute0_lowered:
.L_overlay_start_1:
0x0: {  	(tag) =	ssettag $0x1  }
0x1: {  	s0 =	srdreg.scid  }
0x2: {  	s1 =	sshll.u32 s0, $0x4  }
0x3: {  	s6 =	rddreg [dreg:$0x0];
	s0 =	stileid.u32;
	s1 =	sand.u32 $0x10, s1  }
0x4: {  	s3 =	rddreg [dreg:$0x1];
	s1 =	sor.u32 s0, s1  }
0x5: {  	s5 =	simm.s32 $0x1;
	s31 =	simm.s32 $0x2;
	s2 =	sshll.u32 s1, $0x7  }
0x6: {  	s14 =	simm.s32 $0x0;
	s8 =	simm.s32 $0x800000;
	s4 =	ssub.s32 $0x200000, s2  }
0x7: {  	s15 =	simm.s32 $0x0;
	s9 =	simm.s32 $0x0;
	s30 =	sand.u32 $0xF80, s4  }
0x8: {  	s10 =	simm.s32 $0x0;
	s12 =	simm.s32 $0x0;
	p0 =	sne.s32 s30, $0x0  }
.Ltmp0:
0x9: {  	s7 =	sshrl.u32 s4, $0xC;
	s5 =	simm.s32 @!p0 $0x0;
	(pc) =	sbr.rel .LBB1_1-.Ltmp0, $4  }
0xa: {  	s13 =	simm.s32 $0x0;
	s1 =	rddreg [dreg:$0x2];
	s5 =	sadd.s32 s5, s7  }
0xb: {  	_ =	strace $0x80000051;
	s4 =	simm.s32 $0x1;
	s5 =	smul.u32 $0x3, s5  }
0xc: {  	s6 =	sadd.s32 $0xA00, s6;
	s11 =	smov.u32 s2;
	[sflag:s4] =	ssyncpa.u1 $0x0  }
0xd: {  	[sflag:s31] =	ssyncpa.u1 $0x0;
	p0 =	por $0x0, $0x0;
	s7 =	sadd.s32 $0x1, s5  }
.LBB1_4:
0xe: {  	p1 =	sgt.s32 s10, $0x2  }
0xf: {  	s18 =	smov.u32 s10;
	s19 =	sshra.s32 s10, $0x1F;
	s20 =	sand.u32 $0x78, s9  }
0x10: {  	s21 =	sshra.s32 s9, $0x1F;
	s22 =	sshll.u32 s9, $0x2;
	s25 =	sshll.u32 s10, $0x14  }
0x11: {  	s26 =	sshrl.u32 s9, $0x1;
	s18 =	simm.s32 @!p1 $0x2;
	s19 =	sand.u32 s19, s10  }
0x12: {  	p1 =	sgt.s32 s9, $0x1FFF80;
	s18 =	ssub.s32 s18, s19;
	s19 =	smov.u32 s9  }
0x13: {  	s27 =	sand.u32 $0x7, s9;
	s21 =	sand.u32 s21, s9;
	s19 =	simm.s32 @!p1 $0x1FFF80  }
0x14: {  	s22 =	sand.u32 $0x1FFE00, s22;
	s18 =	sadd.s32 $0xFFFFFFFE, s18;
	s19 =	ssub.s32 s19, s21  }
0x15: {  	p1 =	sgt.s32 s18, $0x0;
	s18 =	sshll.u32 s18, $0x2;
	s21 =	sadd.s32 $0xFFE00080, s19  }
0x16: {  	s18 =	ssub.s32 $0x4, s18;
	s19 =	ssub.s32 $0x200000, s19;
	p2 =	sgt.s32 s21, $0x7F  }
0x17: {  	s20 =	sor.u32 s20, s22;
	s18 =	simm.s32 @p1 $0x0;
	s19 =	simm.s32 @p2 $0x0  }
0x18: {  	s21 =	sand.u32 $0xC0000, s26;
	s18 =	smul.u32 s19, s18;
	s19 =	sadd.s32 s3, s25  }
0x19: {  	s28 =	sshll.u32 s27, $0x12;
	s20 =	sshrl.u32 s20, $0x3;
	s19 =	sadd.s32 s21, s19  }
0x1a: {  	[tilespmem:s17+$0x0 ss:$0x81] =	vst.msk $0xffff, v0;
	s31 =	sor.u32 $0x200, s28;
	s29 =	sand.u32 $0x3FFFFFFC, s18;
	s30 =	sadd.s32 s20, s19  }
0x1b: {  	[hbm4b:s30+s31] =	stream.strided.scatter [tilespmem:s16], [sflag:$0x2], s29, s8, s31, $0x20;
	[tilespmem:$0x4040] =	vst v63  }
.LBB1_5:
0x1c: {  	p1 =	slt.u32 s13, $0x2  }
0x1d: {  	p2 =	sgt.s32 @!p1 s15, $0x2  }
0x1e: {  	s16 =	smov.u32 s15;
	s17 =	sshra.s32 @!p1 s15, $0x1F;
	p2 =	por !p2, p1  }
0x1f: {  	s18 =	sshra.s32 @!p1 s14, $0x1F;
	s16 =	simm.s32 @p2 $0x2;
	p2 =	sgt.s32 @!p1 s14, $0x1FFF80  }
0x20: {  	s15 =	sand.u32 @!p1 s17, s15;
	s17 =	smov.u32 s14;
	p2 =	por !p2, p1  }
0x21: {  	s14 =	sand.u32 @!p1 s18, s14;
	s15 =	ssub.s32 @!p1 s16, s15;
	s17 =	simm.s32 @p2 $0x1FFF80  }
0x22: {  	s15 =	sadd.s32 @!p1 $0xFFFFFFFE, s15;
	s14 =	ssub.s32 @!p1 s17, s14  }
0x23: {  	s16 =	sshll.u32 @!p1 s15, $0x2;
	s17 =	sadd.s32 @!p1 $0xFFE00080, s14  }
0x24: {  	p2 =	sgt.s32 @!p1 s15, $0x0;
	s15 =	ssub.s32 @!p1 $0x4, s16;
	p3 =	sgt.s32 @!p1 s17, $0x7F  }
0x25: {  	p2 =	por !p2, p1;
	s14 =	ssub.s32 @!p1 $0x200000, s14;
	p3 =	por !p3, p1  }
0x26: {  	s16 =	sadd.s32 $0x1000, s11;
	s15 =	simm.s32 @!p2 $0x0;
	s14 =	simm.s32 @!p3 $0x0  }
0x27: {  	p2 =	sgt.s32 s16, $0x1FFFFF;
	s14 =	smul.u32 @!p1 s14, s15;
	s15 =	simm.s32 $0x1  }
0x28: {  	s15 =	simm.s32 @!p2 $0x0  }
0x29: {  	s19 =	sadd.s32 s15, s12  }
0x2a: {  	s16 =	smov.u32 @p2 s2;
	p2 =	sgt.s32 s19, $0x2  }
0x2b: {  	s19 =	simm.s32 @p2 $0x0;
	p2 =	sne.s32 s13, s7  }
.Ltmp1:
0x2c: {  	p0 =	por !p0, !p0;
	s17 =	simm.s32 @!p1 $0x2;
	(pc) =	sbr.rel @!p2 .LBB1_6-.Ltmp1, $4  }
0x2d: {  	s14 =	sand.u32 @!p1 $0x3FFFFFFC, s14;
	s15 =	smov.u32 s10;
	s10 =	smov.u32 s12  }
0x2e: {  	_ =	swait.ge @!p1 [sflag:s17], s14;
	s18 =	ssub.s32 @!p1 $0x0, s14;
	s14 =	smov.u32 s9  }
0x2f: {  	s9 =	smov.u32 s11;
	s11 =	smov.u32 s16;
	[sflag:s17] =	ssyncset.done @!p1 $0x0  }
0x30: {  	s13 =	sadd.s32 $0x1, s13;
	[sflag:s17] =	ssyncadd.s32 @!p1 s18;
	s12 =	smov.u32 s19  }
.LBB1_1:
0x31: {  	p1 =	sge.u32 s13, s5  }
0x32: {  	s31 =	sadd.s32 $0xFFFFFFFF, s13;
	s16 =	sxor.u32 @!p1 $0xFFFFFFFF, s13  }
0x33: {  	s17 =	sshll.u32 @!p1 s12, $0x19;
	s18 =	sshll.u32 @!p1 s11, $0x4;
	s19 =	simm.s32 @!p1 $0x80  }
0x34: {  	s16 =	sshll.u32 @!p1 s16, $0xC;
	s18 =	sand.u32 @!p1 $0x1FFFFF0, s18;
	s17 =	sadd.s32 @!p1 s6, s17  }
0x35: {  	s16 =	sand.u32 @!p1 $0x1000, s16;
	s17 =	sadd.s32 @!p1 s18, s17;
	s18 =	simm.s32 @!p1 $0x20  }
0x36: {  	[tilespmem:s16], [sflag:$0x1] =	stream.strided.gather @!p1 [hbm4b:s17+s18], $0x1000, s19, s18, $0x38;
	[tilespmem:$0x4040] =	vst v63  }
0x37: {  	p1 =	sge.u32 s31, s5  }
.Ltmp2:
0x38: {  	_ = 	snop;
	(pc) =	sbr.rel @p1 .LBB1_5-.Ltmp2, $1  }
0x39: {  	_ =	sdelay $0x3  }
0x3a: {  	s16 =	simm.s32 $0x1  }
0x3b: {  	_ =	swait.ge [sflag:s4], $0x1000;
	s16 =	simm.s32 @!p0 $0x0  }
0x3c: {  	[sflag:s4] =	ssyncset.done $0x0;
	s17 =	sshll.u32 s16, $0xC  }
0x3d: {  	[sflag:s4] =	ssyncadd.s32 $0xFFFFF000;
	s20 =	sor.u32 $0x10, s17  }
0x3e: {  	s16 =	smul.u32 $0x4080, s16;
	v1 =	vld [tilespmem:s20+$0x0]  }
0x3f: {  	s30 =	sand.u32 $0x1, s13;
	v0 =	vld [tilespmem:s20+$0xFFFFFFF0]  }
0x40: {  	s17 =	smul.u32 $0x4080, s30;
	s16 =	sshrl.u32 s16, $0x2  }
0x41: {  	s18 =	sor.u32 $0x2000, s16  }
0x42: {  	s31 =	sshrl.u32 s17, $0x2;
	s17 =	sadd.s32 $0x0, s18  }
0x43: {  	s19 =	simm.s32 $0x4;
	s20 =	sadd.s32 $0x20, s20;
	s16 =	sor.u32 $0x2000, s31;
	[tilespmem:s17+$0x810 ss:$0x81] =	vst.msk $0xffff, v1  }
.LBB1_3:
0x44: {  	v1 =	vld [tilespmem:s20+$0x0];
	p1 =	sne.s32 s19, $0x1FC;
	[tilespmem:s17+$0x0 ss:$0x81] =	vst.msk $0xffff, v0;
	s17 =	smov.u32 s19;
	s19 =	sadd.s32 $0x4, s19  }
.Ltmp3:
0x45: {  	v0 =	vld [tilespmem:s20+$0xFFFFFFF0];
	(pc) =	sbr.rel @p1 .LBB1_3-.Ltmp3, $4  }
0x46: {  	_ = 	snop  }
0x47: {  	s17 =	sshra.s32 s17, $0x2  }
0x48: {  	s17 =	sadd.s32 s17, s18  }
0x49: {  	s20 =	sadd.s32 $0x20, s20;
	[tilespmem:s17+$0x810 ss:$0x81] =	vst.msk $0xffff, v1  }
.Ltmp4:
0x4a: {  	_ = 	snop;
	(pc) =	sbr.rel .LBB1_4-.Ltmp4, $1  }
0x4b: {  	_ =	sdelay $0x3  }
.LBB1_6:
0x4c: {  	_ =	sfence.sel $0x180000  }
0x4d: {  	s2 =	simm.s32 $0x1;
	[bflag:$0x0] =	sbarrier.arrive $0xFFFF  }
0x4e: {  	s31 =	simm.s32 $0x2;
	[sflag:s2] =	ssyncpa.u1 $0x1  }
0x4f: {  	[sflag:s31] =	ssyncpa.u1 $0x1  }
0x50: {  	p0 =	sne.s32 s0, $0x0;
	_ =	strace $0x90000051  }
0x51: {  	s0 =	sadd.s32 @!p0 $0x100000, s1;
	[bflag:$0x2] =	sbarrier.arrive $0xFFFF  }
0x52: {  	[sflag:s0] =	ssyncadd.tile.s32 @!p0 $0x1;
	_ =	shalt  }
.Lfunc_end1:
_tile_overlayer_lowered:
.L_overlay_start_2:
0x53: {  	(tag) =	ssettag $0x2  }
0x54: {  	s0 =	rddreg [dreg:$0x0];
	s2 =	stileid.u32  }
0x55: {  	s1 =	rddreg [dreg:$0x1];
	p0 =	sne.s32 s2, $0x0  }
0x56: {  	s3 =	rddreg [dreg:$0x2];
	[bflag:$0x3] =	sbarrier.arrive $0xFFFF;
	s2 =	simm.s32 @!p0 $0x1C01  }
0x57: {  	[timem:s3], [sflag:s2] =	dma.local @!p0 [hbm:s0], s1  }
0x58: {  	s0 =	simm.s32 @!p0 $0x1  }
0x59: {  	_ =	swait.ge @!p0 [sflag:s0], s1  }
0x5a: {  	s1 =	ssub.s32 @!p0 $0x0, s1;
	[sflag:s0] =	ssyncset.done @!p0 $0x0  }
0x5b: {  	[sflag:s0] =	ssyncadd.s32 @!p0 s1  }
0x5c: {  	[bflag:$0x3] =	sbarrier.arrive $0xFFFF  }
0x5d: {  	_ =	shalt  }

</sc_bundles>
